<compile_context>
chip_gen: v7x
topology: tpu7x:2x2x1
jax: 0.10.2.dev20260603
libtpu: 0.0.44.dev20260713+nightly
codegen_flags: <defaults>
</compile_context>

<pallas_src>
import functools

import jax
import jax.numpy as jnp
from jax import lax
from jax.experimental import pallas as pl
from jax.experimental.pallas import tpu as pltpu
from jax.experimental.pallas import tpu_sc as plsc

_NC = 2
_NS = 16
_NW = _NC * _NS
_LANES = 16



def _table_body(wt_ref, w_ref, m1_ref, bb_ref, st_ref):
    xt = wt_ref[...]
    dn = (((1,), (0,)), ((), ()))
    dot = lax.dot_general(w_ref[...], xt, dn,
                          preferred_element_type=jnp.float32)
    n2 = lax.dot_general(m1_ref[...], xt * xt, dn,
                         preferred_element_type=jnp.float32)
    norm = jnp.sqrt(n2)
    scale = jnp.where(norm > 1.0, 1.0 / (norm + 1e-7), 1.0)
    st_ref[...] = ((dot * scale) + bb_ref[...]).reshape(-1)


def _table_scalars(w_emb, w_lin, b_lin):
    v, d = w_emb.shape
    wt = w_emb.T
    rb = 32768
    grid = pl.cdiv(v, rb)
    m1 = jnp.ones((1, d), jnp.float32)
    bb = b_lin.reshape(1, 1)
    st = pl.pallas_call(
        _table_body,
        grid=(grid,),
        in_specs=[
            pl.BlockSpec((d, rb), lambda i: (0, i)),
            pl.BlockSpec((1, d), lambda i: (0, 0)),
            pl.BlockSpec((1, d), lambda i: (0, 0)),
            pl.BlockSpec((1, 1), lambda i: (0, 0)),
        ],
        out_specs=pl.BlockSpec((rb,), lambda i: (i,)),
        out_shape=jax.ShapeDtypeStruct((v,), jnp.float32),
    )(wt, w_lin, m1, bb)
    return st



_B = 16384
_L = 200
_RW = _B // _NW
_RC = 128
_NSUB = _RC // _LANES
_NCHUNK = _RW // _RC
_NDMA = _L


def _sc_body(xt_hbm, st_hbm, out_hbm,
             xbuf_a, vbuf_a, xbuf_b, vbuf_b,
             outv, sem_a, sem_b):
    wid = lax.axis_index("s") * _NC + lax.axis_index("c")
    base_row = wid * _RW

    def stage(ci, xbuf):
        pltpu.sync_copy(xt_hbm.at[:, pl.ds(base_row + ci * _RC, _RC)], xbuf)

    def fire(xbuf, vbuf, sem):
        def body(k, c):
            pltpu.async_copy(st_hbm.at[xbuf.at[k]], vbuf.at[k], sem)
            return c
        lax.fori_loop(0, _NDMA, body, 0)

    def drain(xbuf, vbuf, sem):
        def body(k, c):
            pltpu.make_async_copy(st_hbm.at[xbuf.at[k]], vbuf.at[k], sem).wait()
            return c
        lax.fori_loop(0, _NDMA, body, 0)

    def reduce_store(ci, vbuf):
        zero = jnp.zeros((_LANES,), jnp.float32)

        def red(l, accs):
            return tuple(accs[j] + vbuf[l, pl.ds(j * _LANES, _LANES)]
                         for j in range(_NSUB))
        accs = lax.fori_loop(0, _L, red, (zero,) * _NSUB)
        for j in range(_NSUB):
            z = accs[j] * (1.0 / _L)
            outv[pl.ds(ci * _RC + j * _LANES, _LANES)] = 1.0 / (1.0 + jnp.exp(-z))

    stage(0, xbuf_a)
    fire(xbuf_a, vbuf_a, sem_a)

    def pair_body(i, carry):
        c0 = i * 2
        stage(c0 + 1, xbuf_b)
        fire(xbuf_b, vbuf_b, sem_b)
        drain(xbuf_a, vbuf_a, sem_a)
        reduce_store(c0, vbuf_a)

        @pl.when(c0 + 2 < _NCHUNK)
        def _():
            stage(c0 + 2, xbuf_a)
            fire(xbuf_a, vbuf_a, sem_a)

        drain(xbuf_b, vbuf_b, sem_b)
        reduce_store(c0 + 1, vbuf_b)
        return carry

    lax.fori_loop(0, _NCHUNK // 2, pair_body, 0)
    pltpu.sync_copy(outv, out_hbm.at[pl.ds(base_row, _RW)])


def _gather_mean(xt, st_flat):
    mesh = plsc.VectorSubcoreMesh(core_axis_name="c", subcore_axis_name="s")
    fn = functools.partial(
        pl.kernel,
        out_type=jax.ShapeDtypeStruct((_B,), jnp.float32),
        mesh=mesh,
        compiler_params=pltpu.CompilerParams(needs_layout_passes=False),
        scratch_types=[
            pltpu.VMEM((_L, _RC), jnp.int32),
            pltpu.VMEM((_L, _RC), jnp.float32),
            pltpu.VMEM((_L, _RC), jnp.int32),
            pltpu.VMEM((_L, _RC), jnp.float32),
            pltpu.VMEM((_RW,), jnp.float32),
            pltpu.SemaphoreType.DMA,
            pltpu.SemaphoreType.DMA,
        ],
    )(_sc_body)
    return fn(xt, st_flat)


def kernel(x, W_emb, W_lin, b_lin):
    st = _table_scalars(W_emb, W_lin, b_lin)
    out = _gather_mean(x.T, st)
    return out.reshape(_B, 1)

# --- scband reference (transcript-rebuilt; emitter-appended) ---
"""Pipeline reference for scband-lr-68410239090838 (READ-ONLY COPY).

The authoritative reference and input builder live on the scoring server;
editing this copy changes nothing except your own understanding.
"""

import jax, jax.numpy as jnp
import numpy as np

VOCAB = 1000000
EMBED = 32
BATCH = 16384
SEQLEN = 200

def setup_inputs(seed: int = 0) -> dict:
    key = jax.random.key(seed)
    k1, k2, k3 = jax.random.split(key, 3)
    x = jax.random.randint(k1, (BATCH, SEQLEN), 0, VOCAB, dtype=jnp.int64 if jax.config.jax_enable_x64 else jnp.int32)
    W_emb = jax.random.normal(k2, (VOCAB, EMBED), dtype=jnp.float32) * 0.02
    W_lin = jax.random.normal(k3, (1, EMBED), dtype=jnp.float32) * 0.1
    b_lin = jnp.zeros((1,), dtype=jnp.float32)
    return {"x": x, "W_emb": W_emb, "W_lin": W_lin, "b_lin": b_lin}

def reference(x, W_emb, W_lin, b_lin):
    # nn.Embedding(max_norm=1.0): looked-up rows are renormalized if norm > max_norm
    emb = jnp.take(W_emb, x, axis=0)  # [B, L, D] gather
    norms = jnp.linalg.norm(emb, axis=-1, keepdims=True)
    emb = emb * jnp.where(norms > 1.0, 1.0 / (norms + 1e-7), 1.0)
    # transpose(1,2) then AvgPool1d(L) then squeeze == mean over sequence dim
    pooled = jnp.mean(emb, axis=1)  # [B, D]
    out = pooled @ W_lin.T + b_lin  # [B, 1]
    return jax.nn.sigmoid(out)

if __name__ == "__main__":
    import jax
    _d = setup_inputs()
    print(jax.jit(kernel)(*tuple(_d.values())))

</pallas_src>

<mosaic_0001>
#map = affine_map<(d0, d1) -> (0, 0)>
#map1 = affine_map<(d0, d1) -> (0)>
module attributes {stable_mosaic.version = 14 : i64} {
  func.func @_sc_body(%arg0: i32, %arg1: i32, %arg2: memref<200x16384xi32, #tpu.memory_space<hbm>>, %arg3: memref<1000000xf32, #tpu.memory_space<hbm>>, %arg4: memref<16384xf32, #tpu.memory_space<hbm>>, %arg5: memref<200x128xi32, #tpu.memory_space<vmem>>, %arg6: memref<200x128xf32, #tpu.memory_space<vmem>>, %arg7: memref<200x128xi32, #tpu.memory_space<vmem>>, %arg8: memref<200x128xf32, #tpu.memory_space<vmem>>, %arg9: memref<512xf32, #tpu.memory_space<vmem>>, %arg10: memref<!tpu.dma_semaphore, #tpu.memory_space<semaphore_mem>>, %arg11: memref<!tpu.dma_semaphore, #tpu.memory_space<semaphore_mem>>) attributes {dimension_semantics = [#tpu.dimension_semantics<core_parallel>, #tpu.dimension_semantics<subcore_parallel>], iteration_bounds = array<i64: 2, 16>, scalar_prefetch = 0 : i64, scratch_operands = 7 : i64, tpu.core_type = #tpu.core_type<sc_vector_subcore>, window_params = [{transform_indices = #map}, {transform_indices = #map1}, {transform_indices = #map1}]} {
    %mul3A = arith.constant 2 : i32
    %mul3A_0 = arith.muli %arg1, %mul3A : i32
    %add3A = arith.addi %mul3A_0, %arg0 : i32
    %mul3A_1 = arith.constant 512 : i32
    %mul3A_2 = arith.muli %add3A, %mul3A_1 : i32
    %add3A_3 = arith.constant 0 : i32
    %add3A_4 = arith.addi %mul3A_2, %add3A_3 : i32
    "tpu.region"() ({
      %run_scoped3A = tpu.sem_alloc : memref<!tpu.dma_semaphore, #tpu.memory_space<semaphore_mem>>
      %dma_start3A = arith.constant 0 : i32
      %dma_start3A_16 = tpu.memref_slice %arg2[%dma_start3A, %add3A_4] : memref<200x16384xi32, #tpu.memory_space<hbm>> -> memref<200x128xi32, #tpu.memory_space<hbm>>
      %dma_start3A_17 = arith.constant 0 : i32
      %dma_start3A_18 = tpu.memref_slice %arg2[%dma_start3A_17, %add3A_4] : memref<200x16384xi32, #tpu.memory_space<hbm>> -> memref<200x128xi32, #tpu.memory_space<hbm>>
      tpu.enqueue_dma source(%dma_start3A_18 : memref<200x128xi32, #tpu.memory_space<hbm>>) target(%arg5 : memref<200x128xi32, #tpu.memory_space<vmem>>) target_semaphore(%run_scoped3A : memref<!tpu.dma_semaphore, #tpu.memory_space<semaphore_mem>>)
      %dma_wait3A = arith.constant 0 : i32
      %dma_wait3A_19 = tpu.memref_slice %arg2[%dma_wait3A, %add3A_4] : memref<200x16384xi32, #tpu.memory_space<hbm>> -> memref<200x128xi32, #tpu.memory_space<hbm>>
      %dma_wait3A_20 = arith.constant 0 : i32
      %dma_wait3A_21 = tpu.memref_slice %arg2[%dma_wait3A_20, %add3A_4] : memref<200x16384xi32, #tpu.memory_space<hbm>> -> memref<200x128xi32, #tpu.memory_space<hbm>>
      tpu.wait_dma2 semaphore(%run_scoped3A : memref<!tpu.dma_semaphore, #tpu.memory_space<semaphore_mem>>) src(%dma_wait3A_21 : memref<200x128xi32, #tpu.memory_space<hbm>>) dst(%arg5 : memref<200x128xi32, #tpu.memory_space<vmem>>)
      tpu.yield
    }) : () -> ()
    %scan3A = arith.constant 0 : i32
    %scan3A_5 = arith.constant 0 : i32
    %scan3A_6 = arith.constant 200 : i32
    %scan3A_7 = arith.addi %scan3A_5, %scan3A_6 : i32
    %scan3A_8 = arith.constant 1 : i32
    scf.for %scan3A_16 = %scan3A_5 to %scan3A_7 step %scan3A_8  : i32 {
      %dma_start3A = arith.constant 0 : i32
      %dma_start3A_17 = tpu.memref_slice %arg6[%scan3A_16, %dma_start3A] : memref<200x128xf32, #tpu.memory_space<vmem>> -> memref<1x128xf32, #tpu.memory_space<vmem>>
      %dma_start3A_18 = tpu.memref_squeeze %dma_start3A_17 : memref<1x128xf32, #tpu.memory_space<vmem>> -> memref<128xf32, #tpu.memory_space<vmem>>
      %dma_start3A_19 = arith.constant 0 : i32
      %dma_start3A_20 = tpu.memref_slice %arg5[%scan3A_16, %dma_start3A_19] : memref<200x128xi32, #tpu.memory_space<vmem>> -> memref<1x128xi32, #tpu.memory_space<vmem>>
      %dma_start3A_21 = tpu.memref_squeeze %dma_start3A_20 : memref<1x128xi32, #tpu.memory_space<vmem>> -> memref<128xi32, #tpu.memory_space<vmem>>
      %dma_start3A_22 = arith.constant 0 : i32
      %dma_start3A_23 = tpu.memref_slice %arg3[%dma_start3A_22] : memref<1000000xf32, #tpu.memory_space<hbm>> -> memref<1000000xf32, #tpu.memory_space<hbm>>
      tpu.enqueue_indirect_dma source(%dma_start3A_23 : memref<1000000xf32, #tpu.memory_space<hbm>>) target(%dma_start3A_18 : memref<128xf32, #tpu.memory_space<vmem>>) offsets(%dma_start3A_21 : memref<128xi32, #tpu.memory_space<vmem>>) semaphore(%arg10 : memref<!tpu.dma_semaphore, #tpu.memory_space<semaphore_mem>>)
    }
    %scan3A_9 = arith.constant 200 : i32
    %scan3A_10 = arith.constant 0 : i32
    %scan3A_11 = arith.constant 0 : i32
    %scan3A_12 = arith.constant 2 : i32
    %scan3A_13 = arith.addi %scan3A_11, %scan3A_12 : i32
    %scan3A_14 = arith.constant 1 : i32
    scf.for %scan3A_16 = %scan3A_11 to %scan3A_13 step %scan3A_14  : i32 {
      %mul3A_17 = arith.constant 2 : i32
      %mul3A_18 = arith.muli %scan3A_16, %mul3A_17 : i32
      %add3A_19 = arith.constant 1 : i32
      %add3A_20 = arith.addi %mul3A_18, %add3A_19 : i32
      %mul3A_21 = arith.constant 128 : i32
      %mul3A_22 = arith.muli %add3A_20, %mul3A_21 : i32
      %add3A_23 = arith.addi %mul3A_2, %mul3A_22 : i32
      "tpu.region"() ({
        %run_scoped3A = tpu.sem_alloc : memref<!tpu.dma_semaphore, #tpu.memory_space<semaphore_mem>>
        %dma_start3A = arith.constant 0 : i32
        %dma_start3A_363 = tpu.memref_slice %arg2[%dma_start3A, %add3A_23] : memref<200x16384xi32, #tpu.memory_space<hbm>> -> memref<200x128xi32, #tpu.memory_space<hbm>>
        %dma_start3A_364 = arith.constant 0 : i32
        %dma_start3A_365 = tpu.memref_slice %arg2[%dma_start3A_364, %add3A_23] : memref<200x16384xi32, #tpu.memory_space<hbm>> -> memref<200x128xi32, #tpu.memory_space<hbm>>
        tpu.enqueue_dma source(%dma_start3A_365 : memref<200x128xi32, #tpu.memory_space<hbm>>) target(%arg7 : memref<200x128xi32, #tpu.memory_space<vmem>>) target_semaphore(%run_scoped3A : memref<!tpu.dma_semaphore, #tpu.memory_space<semaphore_mem>>)
        %dma_wait3A = arith.constant 0 : i32
        %dma_wait3A_366 = tpu.memref_slice %arg2[%dma_wait3A, %add3A_23] : memref<200x16384xi32, #tpu.memory_space<hbm>> -> memref<200x128xi32, #tpu.memory_space<hbm>>
        %dma_wait3A_367 = arith.constant 0 : i32
        %dma_wait3A_368 = tpu.memref_slice %arg2[%dma_wait3A_367, %add3A_23] : memref<200x16384xi32, #tpu.memory_space<hbm>> -> memref<200x128xi32, #tpu.memory_space<hbm>>
        tpu.wait_dma2 semaphore(%run_scoped3A : memref<!tpu.dma_semaphore, #tpu.memory_space<semaphore_mem>>) src(%dma_wait3A_368 : memref<200x128xi32, #tpu.memory_space<hbm>>) dst(%arg7 : memref<200x128xi32, #tpu.memory_space<vmem>>)
        tpu.yield
      }) : () -> ()
      %scan3A_24 = arith.constant 0 : i32
      %scan3A_25 = arith.constant 0 : i32
      %scan3A_26 = arith.constant 200 : i32
      %scan3A_27 = arith.addi %scan3A_25, %scan3A_26 : i32
      %scan3A_28 = arith.constant 1 : i32
      scf.for %scan3A_363 = %scan3A_25 to %scan3A_27 step %scan3A_28  : i32 {
        %dma_start3A = arith.constant 0 : i32
        %dma_start3A_364 = tpu.memref_slice %arg8[%scan3A_363, %dma_start3A] : memref<200x128xf32, #tpu.memory_space<vmem>> -> memref<1x128xf32, #tpu.memory_space<vmem>>
        %dma_start3A_365 = tpu.memref_squeeze %dma_start3A_364 : memref<1x128xf32, #tpu.memory_space<vmem>> -> memref<128xf32, #tpu.memory_space<vmem>>
        %dma_start3A_366 = arith.constant 0 : i32
        %dma_start3A_367 = tpu.memref_slice %arg7[%scan3A_363, %dma_start3A_366] : memref<200x128xi32, #tpu.memory_space<vmem>> -> memref<1x128xi32, #tpu.memory_space<vmem>>
        %dma_start3A_368 = tpu.memref_squeeze %dma_start3A_367 : memref<1x128xi32, #tpu.memory_space<vmem>> -> memref<128xi32, #tpu.memory_space<vmem>>
        %dma_start3A_369 = arith.constant 0 : i32
        %dma_start3A_370 = tpu.memref_slice %arg3[%dma_start3A_369] : memref<1000000xf32, #tpu.memory_space<hbm>> -> memref<1000000xf32, #tpu.memory_space<hbm>>
        tpu.enqueue_indirect_dma source(%dma_start3A_370 : memref<1000000xf32, #tpu.memory_space<hbm>>) target(%dma_start3A_365 : memref<128xf32, #tpu.memory_space<vmem>>) offsets(%dma_start3A_368 : memref<128xi32, #tpu.memory_space<vmem>>) semaphore(%arg11 : memref<!tpu.dma_semaphore, #tpu.memory_space<semaphore_mem>>)
      }
      %scan3A_29 = arith.constant 200 : i32
      %scan3A_30 = arith.constant 0 : i32
      %scan3A_31 = arith.constant 0 : i32
      %scan3A_32 = arith.constant 200 : i32
      %scan3A_33 = arith.addi %scan3A_31, %scan3A_32 : i32
      %scan3A_34 = arith.constant 1 : i32
      scf.for %scan3A_363 = %scan3A_31 to %scan3A_33 step %scan3A_34  : i32 {
        %dma_wait3A = arith.constant 0 : i32
        %dma_wait3A_364 = tpu.memref_slice %arg6[%scan3A_363, %dma_wait3A] : memref<200x128xf32, #tpu.memory_space<vmem>> -> memref<1x128xf32, #tpu.memory_space<vmem>>
        %dma_wait3A_365 = tpu.memref_squeeze %dma_wait3A_364 : memref<1x128xf32, #tpu.memory_space<vmem>> -> memref<128xf32, #tpu.memory_space<vmem>>
        %dma_wait3A_366 = arith.constant 0 : i32
        %dma_wait3A_367 = tpu.memref_slice %arg5[%scan3A_363, %dma_wait3A_366] : memref<200x128xi32, #tpu.memory_space<vmem>> -> memref<1x128xi32, #tpu.memory_space<vmem>>
        %dma_wait3A_368 = tpu.memref_squeeze %dma_wait3A_367 : memref<1x128xi32, #tpu.memory_space<vmem>> -> memref<128xi32, #tpu.memory_space<vmem>>
        %dma_wait3A_369 = arith.constant 0 : i32
        %dma_wait3A_370 = tpu.memref_slice %arg3[%dma_wait3A_369] : memref<1000000xf32, #tpu.memory_space<hbm>> -> memref<1000000xf32, #tpu.memory_space<hbm>>
        tpu.wait_indirect_dma semaphore(%arg10 : memref<!tpu.dma_semaphore, #tpu.memory_space<semaphore_mem>>) src(%dma_wait3A_370 : memref<1000000xf32, #tpu.memory_space<hbm>>) dst(%dma_wait3A_365 : memref<128xf32, #tpu.memory_space<vmem>>)
      }
      %scan3A_35 = arith.constant 200 : i32
      %broadcast_in_dim3A = arith.constant 0.000000e+00 : f32
      %broadcast_in_dim3A_36 = vector.broadcast %broadcast_in_dim3A : f32 to vector<16xf32>
      %scan3A_37 = arith.constant 0 : i32
      %scan3A_38 = arith.constant 200 : i32
      %scan3A_39 = arith.addi %scan3A_37, %scan3A_38 : i32
      %scan3A_40 = arith.constant 1 : i32
      %scan3A_41:8 = scf.for %scan3A_363 = %scan3A_37 to %scan3A_39 step %scan3A_40 iter_args(%scan3A_364 = %broadcast_in_dim3A_36, %scan3A_365 = %broadcast_in_dim3A_36, %scan3A_366 = %broadcast_in_dim3A_36, %scan3A_367 = %broadcast_in_dim3A_36, %scan3A_368 = %broadcast_in_dim3A_36, %scan3A_369 = %broadcast_in_dim3A_36, %scan3A_370 = %broadcast_in_dim3A_36, %scan3A_371 = %broadcast_in_dim3A_36) -> (vector<16xf32>, vector<16xf32>, vector<16xf32>, vector<16xf32>, vector<16xf32>, vector<16xf32>, vector<16xf32>, vector<16xf32>)  : i32 {
        %get3A = arith.index_cast %scan3A_363 : i32 to index
        %get3A_372 = arith.constant 0 : index
        %get3A_373 = tpu.vector_load %arg6[%get3A, %get3A_372] {strides = array<i32>} : memref<200x128xf32, #tpu.memory_space<vmem>>, vector<16xf32>,
        %add3A_374 = arith.addf %scan3A_364, %get3A_373 : vector<16xf32>
        %get3A_375 = arith.index_cast %scan3A_363 : i32 to index
        %get3A_376 = arith.constant 16 : index
        %get3A_377 = tpu.vector_load %arg6[%get3A_375, %get3A_376] {strides = array<i32>} : memref<200x128xf32, #tpu.memory_space<vmem>>, vector<16xf32>,
        %add3A_378 = arith.addf %scan3A_365, %get3A_377 : vector<16xf32>
        %get3A_379 = arith.index_cast %scan3A_363 : i32 to index
        %get3A_380 = arith.constant 32 : index
        %get3A_381 = tpu.vector_load %arg6[%get3A_379, %get3A_380] {strides = array<i32>} : memref<200x128xf32, #tpu.memory_space<vmem>>, vector<16xf32>,
        %add3A_382 = arith.addf %scan3A_366, %get3A_381 : vector<16xf32>
        %get3A_383 = arith.index_cast %scan3A_363 : i32 to index
        %get3A_384 = arith.constant 48 : index
        %get3A_385 = tpu.vector_load %arg6[%get3A_383, %get3A_384] {strides = array<i32>} : memref<200x128xf32, #tpu.memory_space<vmem>>, vector<16xf32>,
        %add3A_386 = arith.addf %scan3A_367, %get3A_385 : vector<16xf32>
        %get3A_387 = arith.index_cast %scan3A_363 : i32 to index
        %get3A_388 = arith.constant 64 : index
        %get3A_389 = tpu.vector_load %arg6[%get3A_387, %get3A_388] {strides = array<i32>} : memref<200x128xf32, #tpu.memory_space<vmem>>, vector<16xf32>,
        %add3A_390 = arith.addf %scan3A_368, %get3A_389 : vector<16xf32>
        %get3A_391 = arith.index_cast %scan3A_363 : i32 to index
        %get3A_392 = arith.constant 80 : index
        %get3A_393 = tpu.vector_load %arg6[%get3A_391, %get3A_392] {strides = array<i32>} : memref<200x128xf32, #tpu.memory_space<vmem>>, vector<16xf32>,
        %add3A_394 = arith.addf %scan3A_369, %get3A_393 : vector<16xf32>
        %get3A_395 = arith.index_cast %scan3A_363 : i32 to index
        %get3A_396 = arith.constant 96 : index
        %get3A_397 = tpu.vector_load %arg6[%get3A_395, %get3A_396] {strides = array<i32>} : memref<200x128xf32, #tpu.memory_space<vmem>>, vector<16xf32>,
        %add3A_398 = arith.addf %scan3A_370, %get3A_397 : vector<16xf32>
        %get3A_399 = arith.index_cast %scan3A_363 : i32 to index
        %get3A_400 = arith.constant 112 : index
        %get3A_401 = tpu.vector_load %arg6[%get3A_399, %get3A_400] {strides = array<i32>} : memref<200x128xf32, #tpu.memory_space<vmem>>, vector<16xf32>,
        %add3A_402 = arith.addf %scan3A_371, %get3A_401 : vector<16xf32>
        scf.yield %add3A_374, %add3A_378, %add3A_382, %add3A_386, %add3A_390, %add3A_394, %add3A_398, %add3A_402 : vector<16xf32>, vector<16xf32>, vector<16xf32>, vector<16xf32>, vector<16xf32>, vector<16xf32>, vector<16xf32>, vector<16xf32>
      }
      %scan3A_42 = arith.constant 200 : i32
      %mul3A_43 = arith.constant 5.000000e-03 : f32
      %mul3A_44 = vector.broadcast %mul3A_43 : f32 to vector<16xf32>
      %mul3A_45 = arith.mulf %scan3A_41#0, %mul3A_44 : vector<16xf32>
      %neg3A = arith.constant 0.000000e+00 : f32
      %neg3A_46 = vector.broadcast %neg3A : f32 to vector<16xf32>
      %neg3A_47 = arith.subf %neg3A_46, %mul3A_45 : vector<16xf32>
      %exp3A = math.exp %neg3A_47 : vector<16xf32>
      %add3A_48 = arith.constant 1.000000e+00 : f32
      %add3A_49 = vector.broadcast %add3A_48 : f32 to vector<16xf32>
      %add3A_50 = arith.addf %add3A_49, %exp3A : vector<16xf32>
      %div3A = arith.constant 1.000000e+00 : f32
      %div3A_51 = vector.broadcast %div3A : f32 to vector<16xf32>
      %div3A_52 = arith.divf %div3A_51, %add3A_50 : vector<16xf32>
      %mul3A_53 = arith.constant 128 : i32
      %mul3A_54 = arith.muli %mul3A_18, %mul3A_53 : i32
      %add3A_55 = arith.constant 0 : i32
      %add3A_56 = arith.addi %mul3A_54, %add3A_55 : i32
      %swap3A = arith.index_cast %add3A_56 : i32 to index
      %swap3A_57 = tpu.vector_load %arg9[%swap3A] {strides = array<i32>} : memref<512xf32, #tpu.memory_space<vmem>>, vector<16xf32>,
      tpu.vector_store %arg9[%swap3A], %div3A_52 {strides = array<i32>} : memref<512xf32, #tpu.memory_space<vmem>>, vector<16xf32>,
      %mul3A_58 = arith.constant 5.000000e-03 : f32
      %mul3A_59 = vector.broadcast %mul3A_58 : f32 to vector<16xf32>
      %mul3A_60 = arith.mulf %scan3A_41#1, %mul3A_59 : vector<16xf32>
      %neg3A_61 = arith.constant 0.000000e+00 : f32
      %neg3A_62 = vector.broadcast %neg3A_61 : f32 to vector<16xf32>
      %neg3A_63 = arith.subf %neg3A_62, %mul3A_60 : vector<16xf32>
      %exp3A_64 = math.exp %neg3A_63 : vector<16xf32>
      %add3A_65 = arith.constant 1.000000e+00 : f32
      %add3A_66 = vector.broadcast %add3A_65 : f32 to vector<16xf32>
      %add3A_67 = arith.addf %add3A_66, %exp3A_64 : vector<16xf32>
      %div3A_68 = arith.constant 1.000000e+00 : f32
      %div3A_69 = vector.broadcast %div3A_68 : f32 to vector<16xf32>
      %div3A_70 = arith.divf %div3A_69, %add3A_67 : vector<16xf32>
      %mul3A_71 = arith.constant 128 : i32
      %mul3A_72 = arith.muli %mul3A_18, %mul3A_71 : i32
      %add3A_73 = arith.constant 16 : i32
      %add3A_74 = arith.addi %mul3A_72, %add3A_73 : i32
      %swap3A_75 = arith.index_cast %add3A_74 : i32 to index
      %swap3A_76 = tpu.vector_load %arg9[%swap3A_75] {strides = array<i32>} : memref<512xf32, #tpu.memory_space<vmem>>, vector<16xf32>,
      tpu.vector_store %arg9[%swap3A_75], %div3A_70 {strides = array<i32>} : memref<512xf32, #tpu.memory_space<vmem>>, vector<16xf32>,
      %mul3A_77 = arith.constant 5.000000e-03 : f32
      %mul3A_78 = vector.broadcast %mul3A_77 : f32 to vector<16xf32>
      %mul3A_79 = arith.mulf %scan3A_41#2, %mul3A_78 : vector<16xf32>
      %neg3A_80 = arith.constant 0.000000e+00 : f32
      %neg3A_81 = vector.broadcast %neg3A_80 : f32 to vector<16xf32>
      %neg3A_82 = arith.subf %neg3A_81, %mul3A_79 : vector<16xf32>
      %exp3A_83 = math.exp %neg3A_82 : vector<16xf32>
      %add3A_84 = arith.constant 1.000000e+00 : f32
      %add3A_85 = vector.broadcast %add3A_84 : f32 to vector<16xf32>
      %add3A_86 = arith.addf %add3A_85, %exp3A_83 : vector<16xf32>
      %div3A_87 = arith.constant 1.000000e+00 : f32
      %div3A_88 = vector.broadcast %div3A_87 : f32 to vector<16xf32>
      %div3A_89 = arith.divf %div3A_88, %add3A_86 : vector<16xf32>
      %mul3A_90 = arith.constant 128 : i32
      %mul3A_91 = arith.muli %mul3A_18, %mul3A_90 : i32
      %add3A_92 = arith.constant 32 : i32
      %add3A_93 = arith.addi %mul3A_91, %add3A_92 : i32
      %swap3A_94 = arith.index_cast %add3A_93 : i32 to index
      %swap3A_95 = tpu.vector_load %arg9[%swap3A_94] {strides = array<i32>} : memref<512xf32, #tpu.memory_space<vmem>>, vector<16xf32>,
      tpu.vector_store %arg9[%swap3A_94], %div3A_89 {strides = array<i32>} : memref<512xf32, #tpu.memory_space<vmem>>, vector<16xf32>,
      %mul3A_96 = arith.constant 5.000000e-03 : f32
      %mul3A_97 = vector.broadcast %mul3A_96 : f32 to vector<16xf32>
      %mul3A_98 = arith.mulf %scan3A_41#3, %mul3A_97 : vector<16xf32>
      %neg3A_99 = arith.constant 0.000000e+00 : f32
      %neg3A_100 = vector.broadcast %neg3A_99 : f32 to vector<16xf32>
      %neg3A_101 = arith.subf %neg3A_100, %mul3A_98 : vector<16xf32>
      %exp3A_102 = math.exp %neg3A_101 : vector<16xf32>
      %add3A_103 = arith.constant 1.000000e+00 : f32
      %add3A_104 = vector.broadcast %add3A_103 : f32 to vector<16xf32>
      %add3A_105 = arith.addf %add3A_104, %exp3A_102 : vector<16xf32>
      %div3A_106 = arith.constant 1.000000e+00 : f32
      %div3A_107 = vector.broadcast %div3A_106 : f32 to vector<16xf32>
      %div3A_108 = arith.divf %div3A_107, %add3A_105 : vector<16xf32>
      %mul3A_109 = arith.constant 128 : i32
      %mul3A_110 = arith.muli %mul3A_18, %mul3A_109 : i32
      %add3A_111 = arith.constant 48 : i32
      %add3A_112 = arith.addi %mul3A_110, %add3A_111 : i32
      %swap3A_113 = arith.index_cast %add3A_112 : i32 to index
      %swap3A_114 = tpu.vector_load %arg9[%swap3A_113] {strides = array<i32>} : memref<512xf32, #tpu.memory_space<vmem>>, vector<16xf32>,
      tpu.vector_store %arg9[%swap3A_113], %div3A_108 {strides = array<i32>} : memref<512xf32, #tpu.memory_space<vmem>>, vector<16xf32>,
      %mul3A_115 = arith.constant 5.000000e-03 : f32
      %mul3A_116 = vector.broadcast %mul3A_115 : f32 to vector<16xf32>
      %mul3A_117 = arith.mulf %scan3A_41#4, %mul3A_116 : vector<16xf32>
      %neg3A_118 = arith.constant 0.000000e+00 : f32
      %neg3A_119 = vector.broadcast %neg3A_118 : f32 to vector<16xf32>
      %neg3A_120 = arith.subf %neg3A_119, %mul3A_117 : vector<16xf32>
      %exp3A_121 = math.exp %neg3A_120 : vector<16xf32>
      %add3A_122 = arith.constant 1.000000e+00 : f32
      %add3A_123 = vector.broadcast %add3A_122 : f32 to vector<16xf32>
      %add3A_124 = arith.addf %add3A_123, %exp3A_121 : vector<16xf32>
      %div3A_125 = arith.constant 1.000000e+00 : f32
      %div3A_126 = vector.broadcast %div3A_125 : f32 to vector<16xf32>
      %div3A_127 = arith.divf %div3A_126, %add3A_124 : vector<16xf32>
      %mul3A_128 = arith.constant 128 : i32
      %mul3A_129 = arith.muli %mul3A_18, %mul3A_128 : i32
      %add3A_130 = arith.constant 64 : i32
      %add3A_131 = arith.addi %mul3A_129, %add3A_130 : i32
      %swap3A_132 = arith.index_cast %add3A_131 : i32 to index
      %swap3A_133 = tpu.vector_load %arg9[%swap3A_132] {strides = array<i32>} : memref<512xf32, #tpu.memory_space<vmem>>, vector<16xf32>,
      tpu.vector_store %arg9[%swap3A_132], %div3A_127 {strides = array<i32>} : memref<512xf32, #tpu.memory_space<vmem>>, vector<16xf32>,
      %mul3A_134 = arith.constant 5.000000e-03 : f32
      %mul3A_135 = vector.broadcast %mul3A_134 : f32 to vector<16xf32>
      %mul3A_136 = arith.mulf %scan3A_41#5, %mul3A_135 : vector<16xf32>
      %neg3A_137 = arith.constant 0.000000e+00 : f32
      %neg3A_138 = vector.broadcast %neg3A_137 : f32 to vector<16xf32>
      %neg3A_139 = arith.subf %neg3A_138, %mul3A_136 : vector<16xf32>
      %exp3A_140 = math.exp %neg3A_139 : vector<16xf32>
      %add3A_141 = arith.constant 1.000000e+00 : f32
      %add3A_142 = vector.broadcast %add3A_141 : f32 to vector<16xf32>
      %add3A_143 = arith.addf %add3A_142, %exp3A_140 : vector<16xf32>
      %div3A_144 = arith.constant 1.000000e+00 : f32
      %div3A_145 = vector.broadcast %div3A_144 : f32 to vector<16xf32>
      %div3A_146 = arith.divf %div3A_145, %add3A_143 : vector<16xf32>
      %mul3A_147 = arith.constant 128 : i32
      %mul3A_148 = arith.muli %mul3A_18, %mul3A_147 : i32
      %add3A_149 = arith.constant 80 : i32
      %add3A_150 = arith.addi %mul3A_148, %add3A_149 : i32
      %swap3A_151 = arith.index_cast %add3A_150 : i32 to index
      %swap3A_152 = tpu.vector_load %arg9[%swap3A_151] {strides = array<i32>} : memref<512xf32, #tpu.memory_space<vmem>>, vector<16xf32>,
      tpu.vector_store %arg9[%swap3A_151], %div3A_146 {strides = array<i32>} : memref<512xf32, #tpu.memory_space<vmem>>, vector<16xf32>,
      %mul3A_153 = arith.constant 5.000000e-03 : f32
      %mul3A_154 = vector.broadcast %mul3A_153 : f32 to vector<16xf32>
      %mul3A_155 = arith.mulf %scan3A_41#6, %mul3A_154 : vector<16xf32>
      %neg3A_156 = arith.constant 0.000000e+00 : f32
      %neg3A_157 = vector.broadcast %neg3A_156 : f32 to vector<16xf32>
      %neg3A_158 = arith.subf %neg3A_157, %mul3A_155 : vector<16xf32>
      %exp3A_159 = math.exp %neg3A_158 : vector<16xf32>
      %add3A_160 = arith.constant 1.000000e+00 : f32
      %add3A_161 = vector.broadcast %add3A_160 : f32 to vector<16xf32>
      %add3A_162 = arith.addf %add3A_161, %exp3A_159 : vector<16xf32>
      %div3A_163 = arith.constant 1.000000e+00 : f32
      %div3A_164 = vector.broadcast %div3A_163 : f32 to vector<16xf32>
      %div3A_165 = arith.divf %div3A_164, %add3A_162 : vector<16xf32>
      %mul3A_166 = arith.constant 128 : i32
      %mul3A_167 = arith.muli %mul3A_18, %mul3A_166 : i32
      %add3A_168 = arith.constant 96 : i32
      %add3A_169 = arith.addi %mul3A_167, %add3A_168 : i32
      %swap3A_170 = arith.index_cast %add3A_169 : i32 to index
      %swap3A_171 = tpu.vector_load %arg9[%swap3A_170] {strides = array<i32>} : memref<512xf32, #tpu.memory_space<vmem>>, vector<16xf32>,
      tpu.vector_store %arg9[%swap3A_170], %div3A_165 {strides = array<i32>} : memref<512xf32, #tpu.memory_space<vmem>>, vector<16xf32>,
      %mul3A_172 = arith.constant 5.000000e-03 : f32
      %mul3A_173 = vector.broadcast %mul3A_172 : f32 to vector<16xf32>
      %mul3A_174 = arith.mulf %scan3A_41#7, %mul3A_173 : vector<16xf32>
      %neg3A_175 = arith.constant 0.000000e+00 : f32
      %neg3A_176 = vector.broadcast %neg3A_175 : f32 to vector<16xf32>
      %neg3A_177 = arith.subf %neg3A_176, %mul3A_174 : vector<16xf32>
      %exp3A_178 = math.exp %neg3A_177 : vector<16xf32>
      %add3A_179 = arith.constant 1.000000e+00 : f32
      %add3A_180 = vector.broadcast %add3A_179 : f32 to vector<16xf32>
      %add3A_181 = arith.addf %add3A_180, %exp3A_178 : vector<16xf32>
      %div3A_182 = arith.constant 1.000000e+00 : f32
      %div3A_183 = vector.broadcast %div3A_182 : f32 to vector<16xf32>
      %div3A_184 = arith.divf %div3A_183, %add3A_181 : vector<16xf32>
      %mul3A_185 = arith.constant 128 : i32
      %mul3A_186 = arith.muli %mul3A_18, %mul3A_185 : i32
      %add3A_187 = arith.constant 112 : i32
      %add3A_188 = arith.addi %mul3A_186, %add3A_187 : i32
      %swap3A_189 = arith.index_cast %add3A_188 : i32 to index
      %swap3A_190 = tpu.vector_load %arg9[%swap3A_189] {strides = array<i32>} : memref<512xf32, #tpu.memory_space<vmem>>, vector<16xf32>,
      tpu.vector_store %arg9[%swap3A_189], %div3A_184 {strides = array<i32>} : memref<512xf32, #tpu.memory_space<vmem>>, vector<16xf32>,
      %add3A_191 = arith.constant 2 : i32
      %add3A_192 = arith.addi %mul3A_18, %add3A_191 : i32
      %lt3A = arith.constant 4 : i32
      %lt3A_193 = arith.cmpi slt, %add3A_192, %lt3A : i32
      %convert_element_type3A = arith.extui %lt3A_193 : i1 to i32
      %cond3A = arith.constant 0 : i32
      %cond3A_194 = arith.cmpi ne, %convert_element_type3A, %cond3A : i32
      scf.if %cond3A_194 {
        %add3A_363 = arith.constant 2 : i32
        %add3A_364 = arith.addi %mul3A_18, %add3A_363 : i32
        %mul3A_365 = arith.constant 128 : i32
        %mul3A_366 = arith.muli %add3A_364, %mul3A_365 : i32
        %add3A_367 = arith.addi %mul3A_2, %mul3A_366 : i32
        "tpu.region"() ({
          %run_scoped3A = tpu.sem_alloc : memref<!tpu.dma_semaphore, #tpu.memory_space<semaphore_mem>>
          %dma_start3A = arith.constant 0 : i32
          %dma_start3A_374 = tpu.memref_slice %arg2[%dma_start3A, %add3A_367] : memref<200x16384xi32, #tpu.memory_space<hbm>> -> memref<200x128xi32, #tpu.memory_space<hbm>>
          %dma_start3A_375 = arith.constant 0 : i32
          %dma_start3A_376 = tpu.memref_slice %arg2[%dma_start3A_375, %add3A_367] : memref<200x16384xi32, #tpu.memory_space<hbm>> -> memref<200x128xi32, #tpu.memory_space<hbm>>
          tpu.enqueue_dma source(%dma_start3A_376 : memref<200x128xi32, #tpu.memory_space<hbm>>) target(%arg5 : memref<200x128xi32, #tpu.memory_space<vmem>>) target_semaphore(%run_scoped3A : memref<!tpu.dma_semaphore, #tpu.memory_space<semaphore_mem>>)
          %dma_wait3A = arith.constant 0 : i32
          %dma_wait3A_377 = tpu.memref_slice %arg2[%dma_wait3A, %add3A_367] : memref<200x16384xi32, #tpu.memory_space<hbm>> -> memref<200x128xi32, #tpu.memory_space<hbm>>
          %dma_wait3A_378 = arith.constant 0 : i32
          %dma_wait3A_379 = tpu.memref_slice %arg2[%dma_wait3A_378, %add3A_367] : memref<200x16384xi32, #tpu.memory_space<hbm>> -> memref<200x128xi32, #tpu.memory_space<hbm>>
          tpu.wait_dma2 semaphore(%run_scoped3A : memref<!tpu.dma_semaphore, #tpu.memory_space<semaphore_mem>>) src(%dma_wait3A_379 : memref<200x128xi32, #tpu.memory_space<hbm>>) dst(%arg5 : memref<200x128xi32, #tpu.memory_space<vmem>>)
          tpu.yield
        }) : () -> ()
        %scan3A_368 = arith.constant 0 : i32
        %scan3A_369 = arith.constant 0 : i32
        %scan3A_370 = arith.constant 200 : i32
        %scan3A_371 = arith.addi %scan3A_369, %scan3A_370 : i32
        %scan3A_372 = arith.constant 1 : i32
        scf.for %scan3A_374 = %scan3A_369 to %scan3A_371 step %scan3A_372  : i32 {
          %dma_start3A = arith.constant 0 : i32
          %dma_start3A_375 = tpu.memref_slice %arg6[%scan3A_374, %dma_start3A] : memref<200x128xf32, #tpu.memory_space<vmem>> -> memref<1x128xf32, #tpu.memory_space<vmem>>
          %dma_start3A_376 = tpu.memref_squeeze %dma_start3A_375 : memref<1x128xf32, #tpu.memory_space<vmem>> -> memref<128xf32, #tpu.memory_space<vmem>>
          %dma_start3A_377 = arith.constant 0 : i32
          %dma_start3A_378 = tpu.memref_slice %arg5[%scan3A_374, %dma_start3A_377] : memref<200x128xi32, #tpu.memory_space<vmem>> -> memref<1x128xi32, #tpu.memory_space<vmem>>
          %dma_start3A_379 = tpu.memref_squeeze %dma_start3A_378 : memref<1x128xi32, #tpu.memory_space<vmem>> -> memref<128xi32, #tpu.memory_space<vmem>>
          %dma_start3A_380 = arith.constant 0 : i32
          %dma_start3A_381 = tpu.memref_slice %arg3[%dma_start3A_380] : memref<1000000xf32, #tpu.memory_space<hbm>> -> memref<1000000xf32, #tpu.memory_space<hbm>>
          tpu.enqueue_indirect_dma source(%dma_start3A_381 : memref<1000000xf32, #tpu.memory_space<hbm>>) target(%dma_start3A_376 : memref<128xf32, #tpu.memory_space<vmem>>) offsets(%dma_start3A_379 : memref<128xi32, #tpu.memory_space<vmem>>) semaphore(%arg10 : memref<!tpu.dma_semaphore, #tpu.memory_space<semaphore_mem>>)
        }
        %scan3A_373 = arith.constant 200 : i32
      } else {
      }
      %scan3A_195 = arith.constant 0 : i32
      %scan3A_196 = arith.constant 0 : i32
      %scan3A_197 = arith.constant 200 : i32
      %scan3A_198 = arith.addi %scan3A_196, %scan3A_197 : i32
      %scan3A_199 = arith.constant 1 : i32
      scf.for %scan3A_363 = %scan3A_196 to %scan3A_198 step %scan3A_199  : i32 {
        %dma_wait3A = arith.constant 0 : i32
        %dma_wait3A_364 = tpu.memref_slice %arg8[%scan3A_363, %dma_wait3A] : memref<200x128xf32, #tpu.memory_space<vmem>> -> memref<1x128xf32, #tpu.memory_space<vmem>>
        %dma_wait3A_365 = tpu.memref_squeeze %dma_wait3A_364 : memref<1x128xf32, #tpu.memory_space<vmem>> -> memref<128xf32, #tpu.memory_space<vmem>>
        %dma_wait3A_366 = arith.constant 0 : i32
        %dma_wait3A_367 = tpu.memref_slice %arg7[%scan3A_363, %dma_wait3A_366] : memref<200x128xi32, #tpu.memory_space<vmem>> -> memref<1x128xi32, #tpu.memory_space<vmem>>
        %dma_wait3A_368 = tpu.memref_squeeze %dma_wait3A_367 : memref<1x128xi32, #tpu.memory_space<vmem>> -> memref<128xi32, #tpu.memory_space<vmem>>
        %dma_wait3A_369 = arith.constant 0 : i32
        %dma_wait3A_370 = tpu.memref_slice %arg3[%dma_wait3A_369] : memref<1000000xf32, #tpu.memory_space<hbm>> -> memref<1000000xf32, #tpu.memory_space<hbm>>
        tpu.wait_indirect_dma semaphore(%arg11 : memref<!tpu.dma_semaphore, #tpu.memory_space<semaphore_mem>>) src(%dma_wait3A_370 : memref<1000000xf32, #tpu.memory_space<hbm>>) dst(%dma_wait3A_365 : memref<128xf32, #tpu.memory_space<vmem>>)
      }
      %scan3A_200 = arith.constant 200 : i32
      %add3A_201 = arith.constant 1 : i32
      %add3A_202 = arith.addi %mul3A_18, %add3A_201 : i32
      %broadcast_in_dim3A_203 = arith.constant 0.000000e+00 : f32
      %broadcast_in_dim3A_204 = vector.broadcast %broadcast_in_dim3A_203 : f32 to vector<16xf32>
      %scan3A_205 = arith.constant 0 : i32
      %scan3A_206 = arith.constant 200 : i32
      %scan3A_207 = arith.addi %scan3A_205, %scan3A_206 : i32
      %scan3A_208 = arith.constant 1 : i32
      %scan3A_209:8 = scf.for %scan3A_363 = %scan3A_205 to %scan3A_207 step %scan3A_208 iter_args(%scan3A_364 = %broadcast_in_dim3A_204, %scan3A_365 = %broadcast_in_dim3A_204, %scan3A_366 = %broadcast_in_dim3A_204, %scan3A_367 = %broadcast_in_dim3A_204, %scan3A_368 = %broadcast_in_dim3A_204, %scan3A_369 = %broadcast_in_dim3A_204, %scan3A_370 = %broadcast_in_dim3A_204, %scan3A_371 = %broadcast_in_dim3A_204) -> (vector<16xf32>, vector<16xf32>, vector<16xf32>, vector<16xf32>, vector<16xf32>, vector<16xf32>, vector<16xf32>, vector<16xf32>)  : i32 {
        %get3A = arith.index_cast %scan3A_363 : i32 to index
        %get3A_372 = arith.constant 0 : index
        %get3A_373 = tpu.vector_load %arg8[%get3A, %get3A_372] {strides = array<i32>} : memref<200x128xf32, #tpu.memory_space<vmem>>, vector<16xf32>,
        %add3A_374 = arith.addf %scan3A_364, %get3A_373 : vector<16xf32>
        %get3A_375 = arith.index_cast %scan3A_363 : i32 to index
        %get3A_376 = arith.constant 16 : index
        %get3A_377 = tpu.vector_load %arg8[%get3A_375, %get3A_376] {strides = array<i32>} : memref<200x128xf32, #tpu.memory_space<vmem>>, vector<16xf32>,
        %add3A_378 = arith.addf %scan3A_365, %get3A_377 : vector<16xf32>
        %get3A_379 = arith.index_cast %scan3A_363 : i32 to index
        %get3A_380 = arith.constant 32 : index
        %get3A_381 = tpu.vector_load %arg8[%get3A_379, %get3A_380] {strides = array<i32>} : memref<200x128xf32, #tpu.memory_space<vmem>>, vector<16xf32>,
        %add3A_382 = arith.addf %scan3A_366, %get3A_381 : vector<16xf32>
        %get3A_383 = arith.index_cast %scan3A_363 : i32 to index
        %get3A_384 = arith.constant 48 : index
        %get3A_385 = tpu.vector_load %arg8[%get3A_383, %get3A_384] {strides = array<i32>} : memref<200x128xf32, #tpu.memory_space<vmem>>, vector<16xf32>,
        %add3A_386 = arith.addf %scan3A_367, %get3A_385 : vector<16xf32>
        %get3A_387 = arith.index_cast %scan3A_363 : i32 to index
        %get3A_388 = arith.constant 64 : index
        %get3A_389 = tpu.vector_load %arg8[%get3A_387, %get3A_388] {strides = array<i32>} : memref<200x128xf32, #tpu.memory_space<vmem>>, vector<16xf32>,
        %add3A_390 = arith.addf %scan3A_368, %get3A_389 : vector<16xf32>
        %get3A_391 = arith.index_cast %scan3A_363 : i32 to index
        %get3A_392 = arith.constant 80 : index
        %get3A_393 = tpu.vector_load %arg8[%get3A_391, %get3A_392] {strides = array<i32>} : memref<200x128xf32, #tpu.memory_space<vmem>>, vector<16xf32>,
        %add3A_394 = arith.addf %scan3A_369, %get3A_393 : vector<16xf32>
        %get3A_395 = arith.index_cast %scan3A_363 : i32 to index
        %get3A_396 = arith.constant 96 : index
        %get3A_397 = tpu.vector_load %arg8[%get3A_395, %get3A_396] {strides = array<i32>} : memref<200x128xf32, #tpu.memory_space<vmem>>, vector<16xf32>,
        %add3A_398 = arith.addf %scan3A_370, %get3A_397 : vector<16xf32>
        %get3A_399 = arith.index_cast %scan3A_363 : i32 to index
        %get3A_400 = arith.constant 112 : index
        %get3A_401 = tpu.vector_load %arg8[%get3A_399, %get3A_400] {strides = array<i32>} : memref<200x128xf32, #tpu.memory_space<vmem>>, vector<16xf32>,
        %add3A_402 = arith.addf %scan3A_371, %get3A_401 : vector<16xf32>
        scf.yield %add3A_374, %add3A_378, %add3A_382, %add3A_386, %add3A_390, %add3A_394, %add3A_398, %add3A_402 : vector<16xf32>, vector<16xf32>, vector<16xf32>, vector<16xf32>, vector<16xf32>, vector<16xf32>, vector<16xf32>, vector<16xf32>
      }
      %scan3A_210 = arith.constant 200 : i32
      %mul3A_211 = arith.constant 5.000000e-03 : f32
      %mul3A_212 = vector.broadcast %mul3A_211 : f32 to vector<16xf32>
      %mul3A_213 = arith.mulf %scan3A_209#0, %mul3A_212 : vector<16xf32>
      %neg3A_214 = arith.constant 0.000000e+00 : f32
      %neg3A_215 = vector.broadcast %neg3A_214 : f32 to vector<16xf32>
      %neg3A_216 = arith.subf %neg3A_215, %mul3A_213 : vector<16xf32>
      %exp3A_217 = math.exp %neg3A_216 : vector<16xf32>
      %add3A_218 = arith.constant 1.000000e+00 : f32
      %add3A_219 = vector.broadcast %add3A_218 : f32 to vector<16xf32>
      %add3A_220 = arith.addf %add3A_219, %exp3A_217 : vector<16xf32>
      %div3A_221 = arith.constant 1.000000e+00 : f32
      %div3A_222 = vector.broadcast %div3A_221 : f32 to vector<16xf32>
      %div3A_223 = arith.divf %div3A_222, %add3A_220 : vector<16xf32>
      %mul3A_224 = arith.constant 128 : i32
      %mul3A_225 = arith.muli %add3A_202, %mul3A_224 : i32
      %add3A_226 = arith.constant 0 : i32
      %add3A_227 = arith.addi %mul3A_225, %add3A_226 : i32
      %swap3A_228 = arith.index_cast %add3A_227 : i32 to index
      %swap3A_229 = tpu.vector_load %arg9[%swap3A_228] {strides = array<i32>} : memref<512xf32, #tpu.memory_space<vmem>>, vector<16xf32>,
      tpu.vector_store %arg9[%swap3A_228], %div3A_223 {strides = array<i32>} : memref<512xf32, #tpu.memory_space<vmem>>, vector<16xf32>,
      %mul3A_230 = arith.constant 5.000000e-03 : f32
      %mul3A_231 = vector.broadcast %mul3A_230 : f32 to vector<16xf32>
      %mul3A_232 = arith.mulf %scan3A_209#1, %mul3A_231 : vector<16xf32>
      %neg3A_233 = arith.constant 0.000000e+00 : f32
      %neg3A_234 = vector.broadcast %neg3A_233 : f32 to vector<16xf32>
      %neg3A_235 = arith.subf %neg3A_234, %mul3A_232 : vector<16xf32>
      %exp3A_236 = math.exp %neg3A_235 : vector<16xf32>
      %add3A_237 = arith.constant 1.000000e+00 : f32
      %add3A_238 = vector.broadcast %add3A_237 : f32 to vector<16xf32>
      %add3A_239 = arith.addf %add3A_238, %exp3A_236 : vector<16xf32>
      %div3A_240 = arith.constant 1.000000e+00 : f32
      %div3A_241 = vector.broadcast %div3A_240 : f32 to vector<16xf32>
      %div3A_242 = arith.divf %div3A_241, %add3A_239 : vector<16xf32>
      %mul3A_243 = arith.constant 128 : i32
      %mul3A_244 = arith.muli %add3A_202, %mul3A_243 : i32
      %add3A_245 = arith.constant 16 : i32
      %add3A_246 = arith.addi %mul3A_244, %add3A_245 : i32
      %swap3A_247 = arith.index_cast %add3A_246 : i32 to index
      %swap3A_248 = tpu.vector_load %arg9[%swap3A_247] {strides = array<i32>} : memref<512xf32, #tpu.memory_space<vmem>>, vector<16xf32>,
      tpu.vector_store %arg9[%swap3A_247], %div3A_242 {strides = array<i32>} : memref<512xf32, #tpu.memory_space<vmem>>, vector<16xf32>,
      %mul3A_249 = arith.constant 5.000000e-03 : f32
      %mul3A_250 = vector.broadcast %mul3A_249 : f32 to vector<16xf32>
      %mul3A_251 = arith.mulf %scan3A_209#2, %mul3A_250 : vector<16xf32>
      %neg3A_252 = arith.constant 0.000000e+00 : f32
      %neg3A_253 = vector.broadcast %neg3A_252 : f32 to vector<16xf32>
      %neg3A_254 = arith.subf %neg3A_253, %mul3A_251 : vector<16xf32>
      %exp3A_255 = math.exp %neg3A_254 : vector<16xf32>
      %add3A_256 = arith.constant 1.000000e+00 : f32
      %add3A_257 = vector.broadcast %add3A_256 : f32 to vector<16xf32>
      %add3A_258 = arith.addf %add3A_257, %exp3A_255 : vector<16xf32>
      %div3A_259 = arith.constant 1.000000e+00 : f32
      %div3A_260 = vector.broadcast %div3A_259 : f32 to vector<16xf32>
      %div3A_261 = arith.divf %div3A_260, %add3A_258 : vector<16xf32>
      %mul3A_262 = arith.constant 128 : i32
      %mul3A_263 = arith.muli %add3A_202, %mul3A_262 : i32
      %add3A_264 = arith.constant 32 : i32
      %add3A_265 = arith.addi %mul3A_263, %add3A_264 : i32
      %swap3A_266 = arith.index_cast %add3A_265 : i32 to index
      %swap3A_267 = tpu.vector_load %arg9[%swap3A_266] {strides = array<i32>} : memref<512xf32, #tpu.memory_space<vmem>>, vector<16xf32>,
      tpu.vector_store %arg9[%swap3A_266], %div3A_261 {strides = array<i32>} : memref<512xf32, #tpu.memory_space<vmem>>, vector<16xf32>,
      %mul3A_268 = arith.constant 5.000000e-03 : f32
      %mul3A_269 = vector.broadcast %mul3A_268 : f32 to vector<16xf32>
      %mul3A_270 = arith.mulf %scan3A_209#3, %mul3A_269 : vector<16xf32>
      %neg3A_271 = arith.constant 0.000000e+00 : f32
      %neg3A_272 = vector.broadcast %neg3A_271 : f32 to vector<16xf32>
      %neg3A_273 = arith.subf %neg3A_272, %mul3A_270 : vector<16xf32>
      %exp3A_274 = math.exp %neg3A_273 : vector<16xf32>
      %add3A_275 = arith.constant 1.000000e+00 : f32
      %add3A_276 = vector.broadcast %add3A_275 : f32 to vector<16xf32>
      %add3A_277 = arith.addf %add3A_276, %exp3A_274 : vector<16xf32>
      %div3A_278 = arith.constant 1.000000e+00 : f32
      %div3A_279 = vector.broadcast %div3A_278 : f32 to vector<16xf32>
      %div3A_280 = arith.divf %div3A_279, %add3A_277 : vector<16xf32>
      %mul3A_281 = arith.constant 128 : i32
      %mul3A_282 = arith.muli %add3A_202, %mul3A_281 : i32
      %add3A_283 = arith.constant 48 : i32
      %add3A_284 = arith.addi %mul3A_282, %add3A_283 : i32
      %swap3A_285 = arith.index_cast %add3A_284 : i32 to index
      %swap3A_286 = tpu.vector_load %arg9[%swap3A_285] {strides = array<i32>} : memref<512xf32, #tpu.memory_space<vmem>>, vector<16xf32>,
      tpu.vector_store %arg9[%swap3A_285], %div3A_280 {strides = array<i32>} : memref<512xf32, #tpu.memory_space<vmem>>, vector<16xf32>,
      %mul3A_287 = arith.constant 5.000000e-03 : f32
      %mul3A_288 = vector.broadcast %mul3A_287 : f32 to vector<16xf32>
      %mul3A_289 = arith.mulf %scan3A_209#4, %mul3A_288 : vector<16xf32>
      %neg3A_290 = arith.constant 0.000000e+00 : f32
      %neg3A_291 = vector.broadcast %neg3A_290 : f32 to vector<16xf32>
      %neg3A_292 = arith.subf %neg3A_291, %mul3A_289 : vector<16xf32>
      %exp3A_293 = math.exp %neg3A_292 : vector<16xf32>
      %add3A_294 = arith.constant 1.000000e+00 : f32
      %add3A_295 = vector.broadcast %add3A_294 : f32 to vector<16xf32>
      %add3A_296 = arith.addf %add3A_295, %exp3A_293 : vector<16xf32>
      %div3A_297 = arith.constant 1.000000e+00 : f32
      %div3A_298 = vector.broadcast %div3A_297 : f32 to vector<16xf32>
      %div3A_299 = arith.divf %div3A_298, %add3A_296 : vector<16xf32>
      %mul3A_300 = arith.constant 128 : i32
      %mul3A_301 = arith.muli %add3A_202, %mul3A_300 : i32
      %add3A_302 = arith.constant 64 : i32
      %add3A_303 = arith.addi %mul3A_301, %add3A_302 : i32
      %swap3A_304 = arith.index_cast %add3A_303 : i32 to index
      %swap3A_305 = tpu.vector_load %arg9[%swap3A_304] {strides = array<i32>} : memref<512xf32, #tpu.memory_space<vmem>>, vector<16xf32>,
      tpu.vector_store %arg9[%swap3A_304], %div3A_299 {strides = array<i32>} : memref<512xf32, #tpu.memory_space<vmem>>, vector<16xf32>,
      %mul3A_306 = arith.constant 5.000000e-03 : f32
      %mul3A_307 = vector.broadcast %mul3A_306 : f32 to vector<16xf32>
      %mul3A_308 = arith.mulf %scan3A_209#5, %mul3A_307 : vector<16xf32>
      %neg3A_309 = arith.constant 0.000000e+00 : f32
      %neg3A_310 = vector.broadcast %neg3A_309 : f32 to vector<16xf32>
      %neg3A_311 = arith.subf %neg3A_310, %mul3A_308 : vector<16xf32>
      %exp3A_312 = math.exp %neg3A_311 : vector<16xf32>
      %add3A_313 = arith.constant 1.000000e+00 : f32
      %add3A_314 = vector.broadcast %add3A_313 : f32 to vector<16xf32>
      %add3A_315 = arith.addf %add3A_314, %exp3A_312 : vector<16xf32>
      %div3A_316 = arith.constant 1.000000e+00 : f32
      %div3A_317 = vector.broadcast %div3A_316 : f32 to vector<16xf32>
      %div3A_318 = arith.divf %div3A_317, %add3A_315 : vector<16xf32>
      %mul3A_319 = arith.constant 128 : i32
      %mul3A_320 = arith.muli %add3A_202, %mul3A_319 : i32
      %add3A_321 = arith.constant 80 : i32
      %add3A_322 = arith.addi %mul3A_320, %add3A_321 : i32
      %swap3A_323 = arith.index_cast %add3A_322 : i32 to index
      %swap3A_324 = tpu.vector_load %arg9[%swap3A_323] {strides = array<i32>} : memref<512xf32, #tpu.memory_space<vmem>>, vector<16xf32>,
      tpu.vector_store %arg9[%swap3A_323], %div3A_318 {strides = array<i32>} : memref<512xf32, #tpu.memory_space<vmem>>, vector<16xf32>,
      %mul3A_325 = arith.constant 5.000000e-03 : f32
      %mul3A_326 = vector.broadcast %mul3A_325 : f32 to vector<16xf32>
      %mul3A_327 = arith.mulf %scan3A_209#6, %mul3A_326 : vector<16xf32>
      %neg3A_328 = arith.constant 0.000000e+00 : f32
      %neg3A_329 = vector.broadcast %neg3A_328 : f32 to vector<16xf32>
      %neg3A_330 = arith.subf %neg3A_329, %mul3A_327 : vector<16xf32>
      %exp3A_331 = math.exp %neg3A_330 : vector<16xf32>
      %add3A_332 = arith.constant 1.000000e+00 : f32
      %add3A_333 = vector.broadcast %add3A_332 : f32 to vector<16xf32>
      %add3A_334 = arith.addf %add3A_333, %exp3A_331 : vector<16xf32>
      %div3A_335 = arith.constant 1.000000e+00 : f32
      %div3A_336 = vector.broadcast %div3A_335 : f32 to vector<16xf32>
      %div3A_337 = arith.divf %div3A_336, %add3A_334 : vector<16xf32>
      %mul3A_338 = arith.constant 128 : i32
      %mul3A_339 = arith.muli %add3A_202, %mul3A_338 : i32
      %add3A_340 = arith.constant 96 : i32
      %add3A_341 = arith.addi %mul3A_339, %add3A_340 : i32
      %swap3A_342 = arith.index_cast %add3A_341 : i32 to index
      %swap3A_343 = tpu.vector_load %arg9[%swap3A_342] {strides = array<i32>} : memref<512xf32, #tpu.memory_space<vmem>>, vector<16xf32>,
      tpu.vector_store %arg9[%swap3A_342], %div3A_337 {strides = array<i32>} : memref<512xf32, #tpu.memory_space<vmem>>, vector<16xf32>,
      %mul3A_344 = arith.constant 5.000000e-03 : f32
      %mul3A_345 = vector.broadcast %mul3A_344 : f32 to vector<16xf32>
      %mul3A_346 = arith.mulf %scan3A_209#7, %mul3A_345 : vector<16xf32>
      %neg3A_347 = arith.constant 0.000000e+00 : f32
      %neg3A_348 = vector.broadcast %neg3A_347 : f32 to vector<16xf32>
      %neg3A_349 = arith.subf %neg3A_348, %mul3A_346 : vector<16xf32>
      %exp3A_350 = math.exp %neg3A_349 : vector<16xf32>
      %add3A_351 = arith.constant 1.000000e+00 : f32
      %add3A_352 = vector.broadcast %add3A_351 : f32 to vector<16xf32>
      %add3A_353 = arith.addf %add3A_352, %exp3A_350 : vector<16xf32>
      %div3A_354 = arith.constant 1.000000e+00 : f32
      %div3A_355 = vector.broadcast %div3A_354 : f32 to vector<16xf32>
      %div3A_356 = arith.divf %div3A_355, %add3A_353 : vector<16xf32>
      %mul3A_357 = arith.constant 128 : i32
      %mul3A_358 = arith.muli %add3A_202, %mul3A_357 : i32
      %add3A_359 = arith.constant 112 : i32
      %add3A_360 = arith.addi %mul3A_358, %add3A_359 : i32
      %swap3A_361 = arith.index_cast %add3A_360 : i32 to index
      %swap3A_362 = tpu.vector_load %arg9[%swap3A_361] {strides = array<i32>} : memref<512xf32, #tpu.memory_space<vmem>>, vector<16xf32>,
      tpu.vector_store %arg9[%swap3A_361], %div3A_356 {strides = array<i32>} : memref<512xf32, #tpu.memory_space<vmem>>, vector<16xf32>,
    }
    %scan3A_15 = arith.constant 2 : i32
    "tpu.region"() ({
      %run_scoped3A = tpu.sem_alloc : memref<!tpu.dma_semaphore, #tpu.memory_space<semaphore_mem>>
      %dma_start3A = tpu.memref_slice %arg4[%mul3A_2] : memref<16384xf32, #tpu.memory_space<hbm>> -> memref<512xf32, #tpu.memory_space<hbm>>
      %dma_start3A_16 = tpu.memref_slice %arg4[%mul3A_2] : memref<16384xf32, #tpu.memory_space<hbm>> -> memref<512xf32, #tpu.memory_space<hbm>>
      tpu.enqueue_dma source(%arg9 : memref<512xf32, #tpu.memory_space<vmem>>) target(%dma_start3A_16 : memref<512xf32, #tpu.memory_space<hbm>>) target_semaphore(%run_scoped3A : memref<!tpu.dma_semaphore, #tpu.memory_space<semaphore_mem>>)
      %dma_wait3A = tpu.memref_slice %arg4[%mul3A_2] : memref<16384xf32, #tpu.memory_space<hbm>> -> memref<512xf32, #tpu.memory_space<hbm>>
      %dma_wait3A_17 = tpu.memref_slice %arg4[%mul3A_2] : memref<16384xf32, #tpu.memory_space<hbm>> -> memref<512xf32, #tpu.memory_space<hbm>>
      tpu.wait_dma2 semaphore(%run_scoped3A : memref<!tpu.dma_semaphore, #tpu.memory_space<semaphore_mem>>) src(%arg9 : memref<512xf32, #tpu.memory_space<vmem>>) dst(%dma_wait3A_17 : memref<512xf32, #tpu.memory_space<hbm>>)
      tpu.yield
    }) : () -> ()
    return
  }
}

module attributes {stable_mosaic.version = 14 : i64} {
  func.func @_table_body(%arg0: i32, %arg1: memref<32x32768xf32, #tpu.memory_space<vmem>>, %arg2: memref<1x32xf32, #tpu.memory_space<vmem>>, %arg3: memref<1x32xf32, #tpu.memory_space<vmem>>, %arg4: memref<1x1xf32, #tpu.memory_space<vmem>>, %arg5: memref<32768xf32, #tpu.memory_space<vmem>>) attributes {dimension_semantics = [#tpu.dimension_semantics<arbitrary>], iteration_bounds = array<i64: 31>, scalar_prefetch = 0 : i64, scratch_operands = 0 : i64, tpu.core_type = #tpu.core_type<tc>, window_params = [{transform_indices = @transform_0, window_bounds = array<i64: 32, 32768>}, {pipeline_mode = #tpu.pipeline_mode<synchronous>, transform_indices = @transform_1, window_bounds = array<i64: 1, 32>}, {pipeline_mode = #tpu.pipeline_mode<synchronous>, transform_indices = @transform_2, window_bounds = array<i64: 1, 32>}, {pipeline_mode = #tpu.pipeline_mode<synchronous>, transform_indices = @transform_3, window_bounds = array<i64: 1, 1>}, {transform_indices = @transform_4, window_bounds = array<i64: 32768>}]} {
    %get3A = arith.constant 0 : index
    %get3A_0 = arith.constant 0 : index
    %get3A_1 = vector.load %arg1[%get3A, %get3A_0] : memref<32x32768xf32, #tpu.memory_space<vmem>>, vector<32x32768xf32>
    %get3A_2 = arith.constant 0 : index
    %get3A_3 = arith.constant 0 : index
    %get3A_4 = vector.load %arg2[%get3A_2, %get3A_3] : memref<1x32xf32, #tpu.memory_space<vmem>>, vector<1x32xf32>
    %dot_general3A = arith.constant dense<0.000000e+00> : vector<1x32768xf32>
    %dot_general3A_5 = tpu.matmul %get3A_4, %get3A_1, %dot_general3A {dimension_numbers = #tpu.dot_dimension_numbers<[1], [0], [0], [1], [0, 0, 1, 1], [], []>, transpose_lhs_hint = false} : vector<1x32xf32>, vector<32x32768xf32>, vector<1x32768xf32> -> vector<1x32768xf32>
    %get3A_6 = arith.constant 0 : index
    %get3A_7 = arith.constant 0 : index
    %get3A_8 = vector.load %arg3[%get3A_6, %get3A_7] : memref<1x32xf32, #tpu.memory_space<vmem>>, vector<1x32xf32>
    %mul3A = arith.mulf %get3A_1, %get3A_1 : vector<32x32768xf32>
    %dot_general3A_9 = arith.constant dense<0.000000e+00> : vector<1x32768xf32>
    %dot_general3A_10 = tpu.matmul %get3A_8, %mul3A, %dot_general3A_9 {dimension_numbers = #tpu.dot_dimension_numbers<[1], [0], [0], [1], [0, 0, 1, 1], [], []>, transpose_lhs_hint = false} : vector<1x32xf32>, vector<32x32768xf32>, vector<1x32768xf32> -> vector<1x32768xf32>
    %sqrt3A = math.sqrt %dot_general3A_10 : vector<1x32768xf32>
    %gt3A = arith.constant 1.000000e+00 : f32
    %gt3A_11 = vector.broadcast %gt3A : f32 to vector<1x32768xf32>
    %gt3A_12 = arith.cmpf ogt, %sqrt3A, %gt3A_11 : vector<1x32768xf32>
    %add3A = arith.constant 1.000000e-07 : f32
    %add3A_13 = vector.broadcast %add3A : f32 to vector<1x32768xf32>
    %add3A_14 = arith.addf %sqrt3A, %add3A_13 : vector<1x32768xf32>
    %div3A = arith.constant 1.000000e+00 : f32
    %div3A_15 = vector.broadcast %div3A : f32 to vector<1x32768xf32>
    %div3A_16 = arith.divf %div3A_15, %add3A_14 : vector<1x32768xf32>
    %jit3A = arith.constant 1.000000e+00 : f32
    %broadcast_in_dim3A = vector.broadcast %jit3A : f32 to vector<1x32768xf32>
    %select_n3A = arith.select %gt3A_12, %div3A_16, %broadcast_in_dim3A : vector<1x32768xi1>, vector<1x32768xf32>
    %mul3A_17 = arith.mulf %dot_general3A_5, %select_n3A : vector<1x32768xf32>
    %get3A_18 = arith.constant 0 : index
    %get3A_19 = arith.constant 0 : index
    %get3A_20 = vector.load %arg4[%get3A_18, %get3A_19] : memref<1x1xf32, #tpu.memory_space<vmem>>, vector<1x1xf32>
    %add3A_21 = vector.broadcast %get3A_20 : vector<1x1xf32> to vector<1x32768xf32>
    %add3A_22 = arith.addf %mul3A_17, %add3A_21 : vector<1x32768xf32>
    %reshape3A = vector.shape_cast %add3A_22 : vector<1x32768xf32> to vector<32768xf32>
    %swap3A = arith.constant 0 : index
    %swap3A_23 = vector.load %arg5[%swap3A] : memref<32768xf32, #tpu.memory_space<vmem>>, vector<32768xf32>
    tpu.vector_store %arg5[%swap3A], %reshape3A {strides = array<i32>} : memref<32768xf32, #tpu.memory_space<vmem>>, vector<32768xf32>,
    return
  }
  func.func @transform_0(%arg0: i32) -> (i32, i32) {
    %c0_i32 = arith.constant 0 : i32
    %c0_i32_0 = arith.constant 0 : i32
    return %c0_i32, %arg0 : i32, i32
  }
  func.func @transform_1(%arg0: i32) -> (i32, i32) {
    %c0_i32 = arith.constant 0 : i32
    %c0_i32_0 = arith.constant 0 : i32
    %c0_i32_1 = arith.constant 0 : i32
    return %c0_i32, %c0_i32_0 : i32, i32
  }
  func.func @transform_2(%arg0: i32) -> (i32, i32) {
    %c0_i32 = arith.constant 0 : i32
    %c0_i32_0 = arith.constant 0 : i32
    %c0_i32_1 = arith.constant 0 : i32
    return %c0_i32, %c0_i32_0 : i32, i32
  }
  func.func @transform_3(%arg0: i32) -> (i32, i32) {
    %c0_i32 = arith.constant 0 : i32
    %c0_i32_0 = arith.constant 0 : i32
    %c0_i32_1 = arith.constant 0 : i32
    return %c0_i32, %c0_i32_0 : i32, i32
  }
  func.func @transform_4(%arg0: i32) -> i32 {
    %c0_i32 = arith.constant 0 : i32
    return %arg0 : i32
  }
}

</mosaic_0001>

<sc_bundles>
// kernel: kernel.4.cloned.1.call-start
scs
__scs_entry_jumppad:
0x0: {  	(pc) =	sbr.rel $0x88, $3  }
0x1: {  	(tag) =	ssettag $0x0;
	lr =	simm.s32 $0x1  }
0x2: {  	[smem:$0x3F9D] =	sst lr;
	_ =	strace $0xD0000000  }
0x3: {  	_ = 	snop  }
0x4: {  	_ = 	snop  }
0x5: {  	_ = 	snop  }
0x6: {  	_ = 	snop  }
0x7: {  	_ = 	snop  }
__scs_overlays_trampoline_lowered:
0x8: {  	[smem:$0x3FAC] =	sst s0  }
0x9: {  	[smem:$0x3FAD] =	sst s1  }
0xa: {  	[smem:$0x3FAE] =	sst s2  }
0xb: {  	[smem:$0x3FAF] =	sst s3  }
0xc: {  	[smem:$0x3FB0] =	sst s4  }
0xd: {  	[smem:$0x3FB1] =	sst s5  }
0xe: {  	[smem:$0x3FB2] =	sst s6  }
0xf: {  	[smem:$0x3FB3] =	sst s7  }
0x10: {  	[smem:$0x3FB4] =	sst s8  }
0x11: {  	[smem:$0x3FB5] =	sst s9;
	s0 =	simm.s32 @!p0 $0x0  }
0x12: {  	s1 =	sld [smem:$0x3F9B];
	s0 =	simm.s32 @p0 $0x1  }
0x13: {  	[smem:$0x3FB6] =	sst s0;
	s0 =	simm.s32 @!p1 $0x0  }
0x14: {  	s2 =	sld [smem:$0x3F9A];
	s0 =	simm.s32 @p1 $0x1  }
0x15: {  	[smem:$0x3FB7] =	sst s0;
	s0 =	simm.s32 @!p2 $0x0  }
0x16: {  	s3 =	sld [smem:$0x3FDB];
	s0 =	simm.s32 @p2 $0x1  }
0x17: {  	s4 =	simm.s32 $0x1BF5;
	[smem:$0x3FB9] =	sst s0  }
0x18: {  	s0 =	sld [smem:$0x3F9C];
	_ =	swait.ge [sflag:s4], $0x0  }
0x19: {  	s7 =	sld [smem:$0x3F9D]  }
0x1a: {  	s8 =	sadd.s32 $0xFFFFE003, lr  }
0x1b: {  	s9 =	sadd.s32 $0xFFFFFEF7, lr;
	s5 =	simm.s32 $0xFFFFFFFF;
	p2 =	slt.u32 s8, $0xFFFFF086  }
0x1c: {  	p1 =	slt.u32 s9, $0xF7A;
	s5 =	simm.s32 @!p2 $0x0  }
0x1d: {  	s5 =	simm.s32 @p1 $0x1;
	p0 =	seq.s32 s7, s2  }
0x1e: {  	s7 =	smul.u32 @!p0 $0xF7A, s2;
	p2 =	seq.s32 @!p0 s5, $0x0  }
0x1f: {  	s9 =	smul.u32 $0xF7A, s1;
	s8 =	simm.s32 @!p0 $0x1BF5;
	p2 =	por !p2, p0  }
0x20: {  	[sflag:s8] =	ssyncset.s32 @!p0 $0xFFFFF086;
	s6 =	sadd.s32 @!p0 s3, s7;
	s7 =	simm.s32 @!p0 $0x108  }
0x21: {  	s3 =	sadd.s32 s3, s9;
	s6 =	sadd.s32 @!p0 $0x88, s6;
	s7 =	simm.s32 @p2 $0x1082  }
0x22: {  	[simem:s7], [sflag:s8] =	dma.local @!p0 [hbm:s6], $0xF7A  }
0x23: {  	s9 =	sor.u32 $0xD0000000, s2;
	s6 =	simm.s32 $0x108;
	_ =	swait.ge @!p0 [sflag:s8], $0x0  }
0x24: {  	s3 =	sadd.s32 $0x88, s3;
	s6 =	simm.s32 @!p1 $0x1082;
	[sflag:s4] =	ssyncset.s32 $0xFFFFF086  }
0x25: {  	[simem:s6], [sflag:s4] =	dma.local [hbm:s3], $0xF7A  }
0x26: {  	[smem:$0x3F9D] =	sst s1;
	(tag) =	ssettag s2;
	_ =	strace s9  }
0x27: {  	s1 =	sld [smem:$0x3FAD]  }
0x28: {  	s2 =	sld [smem:$0x3FAE]  }
0x29: {  	s4 =	sld [smem:$0x3FB0]  }
0x2a: {  	p0 =	seq.s32 s5, $0x0;
	s5 =	sld [smem:$0x3FB1]  }
0x2b: {  	s6 =	sld [smem:$0x3FB2]  }
0x2c: {  	s7 =	sld [smem:$0x3FB3]  }
0x2d: {  	s3 =	simm.s32 $0x108;
	s8 =	sld [smem:$0x3FB4]  }
0x2e: {  	s3 =	simm.s32 @!p0 $0x1082;
	s9 =	sld [smem:$0x3FB5]  }
0x2f: {  	lr =	sadd.s32 s0, s3;
	s0 =	sld [smem:$0x3FAC]  }
0x30: {  	s3 =	sld [smem:$0x3FAF]  }
0x31: {  	[smem:$0x3FB8] =	sst s10  }
0x32: {  	s10 =	sld [smem:$0x3FB6];
	_ =	sdelay $0x3  }
0x33: {  	p0 =	seq.s32 s10, $0x1;
	s10 =	sld [smem:$0x3FB8];
	_ =	sdelay $0x3  }
0x34: {  	[smem:$0x3FB8] =	sst s10  }
0x35: {  	s10 =	sld [smem:$0x3FB7];
	_ =	sdelay $0x3  }
0x36: {  	p1 =	seq.s32 s10, $0x1;
	s10 =	sld [smem:$0x3FB8];
	_ =	sdelay $0x3  }
0x37: {  	[smem:$0x3FB8] =	sst s10  }
0x38: {  	s10 =	sld [smem:$0x3FB9]  }
0x39: {  	_ = 	snop;
	(pc) =	sbr.ind lr, $3  }
0x3a: {  	_ = 	snop  }
0x3b: {  	_ = 	snop  }
0x3c: {  	p2 =	seq.s32 s10, $0x1;
	s10 =	sld [smem:$0x3FB8]  }
0x3d: {  	_ =	shalt  }
0x3e: {  	_ =	shalt  }
0x3f: {  	_ =	shalt  }
0x40: {  	_ =	shalt  }
0x41: {  	_ =	shalt  }
0x42: {  	_ =	shalt  }
0x43: {  	_ =	shalt  }
0x44: {  	_ =	shalt  }
0x45: {  	_ =	shalt  }
0x46: {  	_ =	shalt  }
0x47: {  	_ =	shalt  }
0x48: {  	_ =	shalt  }
0x49: {  	_ =	shalt  }
0x4a: {  	_ =	shalt  }
0x4b: {  	_ =	shalt  }
0x4c: {  	_ =	shalt  }
0x4d: {  	_ =	shalt  }
0x4e: {  	_ =	shalt  }
0x4f: {  	_ =	shalt  }
0x50: {  	_ =	shalt  }
0x51: {  	_ =	shalt  }
0x52: {  	_ =	shalt  }
0x53: {  	_ =	shalt  }
0x54: {  	_ =	shalt  }
0x55: {  	_ =	shalt  }
0x56: {  	_ =	shalt  }
0x57: {  	_ =	shalt  }
0x58: {  	_ =	shalt  }
0x59: {  	_ =	shalt  }
0x5a: {  	_ =	shalt  }
0x5b: {  	_ =	shalt  }
0x5c: {  	_ =	shalt  }
0x5d: {  	_ =	shalt  }
0x5e: {  	_ =	shalt  }
0x5f: {  	_ =	shalt  }
0x60: {  	_ =	shalt  }
0x61: {  	_ =	shalt  }
0x62: {  	_ =	shalt  }
0x63: {  	_ =	shalt  }
0x64: {  	_ =	shalt  }
0x65: {  	_ =	shalt  }
0x66: {  	_ =	shalt  }
0x67: {  	_ =	shalt  }
0x68: {  	_ =	shalt  }
0x69: {  	_ =	shalt  }
0x6a: {  	_ =	shalt  }
0x6b: {  	_ =	shalt  }
0x6c: {  	_ =	shalt  }
0x6d: {  	_ =	shalt  }
0x6e: {  	_ =	shalt  }
0x6f: {  	_ =	shalt  }
0x70: {  	_ =	shalt  }
0x71: {  	_ =	shalt  }
0x72: {  	_ =	shalt  }
0x73: {  	_ =	shalt  }
0x74: {  	_ =	shalt  }
0x75: {  	_ =	shalt  }
0x76: {  	_ =	shalt  }
0x77: {  	_ =	shalt  }
0x78: {  	_ =	shalt  }
0x79: {  	_ =	shalt  }
0x7a: {  	_ =	shalt  }
0x7b: {  	_ =	shalt  }
0x7c: {  	_ =	shalt  }
0x7d: {  	_ =	shalt  }
0x7e: {  	_ =	shalt  }
0x7f: {  	_ =	shalt  }
0x80: {  	_ =	shalt  }
0x81: {  	_ =	shalt  }
0x82: {  	_ =	shalt  }
0x83: {  	_ =	shalt  }
0x84: {  	_ =	shalt  }
0x85: {  	_ =	shalt  }
0x86: {  	_ =	shalt  }
0x87: {  	_ =	shalt  }
.Lfunc_end0:
.L_simem_size_0:
called_computation_lowered:
.L_overlay_start_0:
0x88: {  	s2 =	sld [smem:$0x3FD9]  }
0x89: {  	s3 =	sld [smem:$0x3FFE];
	_ =	sdelay $0x1  }
0x8a: {  	s1 =	srdreg.scid  }
0x8b: {  	s0 =	sand.u32 $0x1, s1  }
0x8c: {  	s17 =	sshll.u32 s0, $0xA;
	s2 =	sadd.s32 s3, s2  }
0x8d: {  	s2 =	sadd.s32 s2, s17  }
0x8e: {  	[smem:$0x3FC4] =	sst s2  }
0x8f: {  	_ = 	snop  }
0x90: {  	s2 =	sld [smem:$0x3FC9]  }
0x91: {  	s18 =	sld [smem:$0x3FD0];
	(tm) =	ssettm $0x1  }
0x92: {  	s4 =	sld [smem:$0x3FFB];
	_ =	sdelay $0x3  }
0x93: {  	_ =	strace s4  }
0x94: {  	s4 =	sld [smem:$0x3FFC];
	_ =	sdelay $0x3  }
0x95: {  	_ =	strace s4  }
0x96: {  	s4 =	sld [smem:$0x3FFD];
	_ =	sdelay $0x3  }
0x97: {  	_ =	strace s4  }
0x98: {  	_ =	strace $0x8FFFFFFF  }
0x99: {  	s19 =	sld [smem:$0x3FDB];
	_ =	sdelay $0x1  }
0x9a: {  	s5 =	simm.s32 $_scs_section_size  }
0x9b: {  	s6 =	simm.s32 $_size__tile_overlayer_lowered;
	s7 =	simm.s32 $_tile_overlayer_lowered  }
0x9c: {  	s22 =	simm.s32 $0x1BFF;
	s21 =	sshll.u32 s7, $0x1;
	s4 =	sadd.s32 s5, s19  }
0x9d: {  	s8 =	simm.s32 $0x0;
	s20 =	sshll.u32 s6, $0x1;
	s6 =	sadd.s32 s21, s4  }
0x9e: {  	[timem:s8], [sflag:s22] =	dma.local [hbm:s6], s20  }
0x9f: {  	_ =	swait.ge [sflag:s22], s20  }
0xa0: {  	s5 =	ssub.s32 $0x0, s20;
	[sflag:s22] =	ssyncset.done $0x0  }
0xa1: {  	[sflag:s22] =	ssyncadd.s32 s5;
	_ =	sdelay $0x1  }
0xa2: {  	s23 =	simm.s32 $0x1B8B  }
0xa3: {  	_ =	swait.ge [sflag:s23], $0x1  }
0xa4: {  	[sflag:s23] =	ssyncset.done $0x0  }
0xa5: {  	s25 =	simm.s32 $0x1B8E;
	s24 =	sld [smem:$0x3FFE];
	[sflag:s23] =	ssyncadd.s32 $0xFFFFFFFF  }
0xa6: {  	s26 =	simm.s32 $execute0_lowered;
	[smem:$0x3FD2] =	sst s25  }
0xa7: {  	s6 =	sshll.u32 s26, $0x1;
	_ =	strace $0x80000046;
	[dreg:$0x1] =	wrdreg $0xFFFFFFFF  }
0xa8: {  	s28 =	simm.s32 $_size_execute0_lowered;
	s4 =	sadd.s32 s4, s6;
	[dreg:$0x0] =	wrdreg $0x0  }
0xa9: {  	s6 =	sshll.u32 s28, $0x1;
	[dreg:$0x2] =	wrdreg s4  }
0xaa: {  	[dreg:$0x3] =	wrdreg s6  }
0xab: {  	[dreg:$0x4] =	wrdreg $0xC0  }
0xac: {  	_ =	task [dreg:s8], $0x5FFFF  }
0xad: {  	[dreg:$0x1] =	wrdreg $0xFFFFFFFF  }
0xae: {  	[dreg:$0x0] =	wrdreg $0x60  }
0xaf: {  	[dreg:$0x2] =	wrdreg s2  }
0xb0: {  	[dreg:$0x3] =	wrdreg s24  }
0xb1: {  	[dreg:$0x4] =	wrdreg s18  }
0xb2: {  	[dreg:$0x5] =	wrdreg $0x9  }
0xb3: {  	_ =	task.clear_ibuf [dreg:s8], $0x6FFFF;
	_ =	strace $0x90000046  }
0xb4: {  	s29 =	simm.s32 $0x9;
	_ =	strace $0x80000048  }
0xb5: {  	_ =	swait.ge [sflag:s29], $0x1  }
0xb6: {  	[sflag:s29] =	ssyncadd.s32 $0xFFFFFFFF  }
0xb7: {  	_ =	strace $0x90000048  }
0xb8: {  	_ =	sfence  }
0xb9: {  	s30 =	sld [smem:$0x0];
	_ =	sdelay $0x2  }
0xba: {  	s31 =	sshll.u32 s1, $0xD;
	s1 =	sshrl.u32 s1, $0x2  }
0xbb: {  	s3 =	sand.u32 $0x4000, s31;
	s1 =	sadd.s32 s1, s30  }
0xbc: {  	s0 =	sor.u32 s3, s0;
	s1 =	sshll.u32 s1, $0x11  }
0xbd: {  	s0 =	sor.u32 s1, s0  }
0xbe: {  	s0 =	sadd.s32 $0x8F2B, s0  }
0xbf: {  	[sflag:s0] =	ssyncadd.remote.s32 $0x1  }
0xc0: {  	_ =	sfence.sel $0xFFFF  }
0xc1: {  	[dreg:$0x0] =	wrdreg $0xFFFFFFFF;
	(pc) =	sbr.abs _section_cstart, $3  }
0xc2: {  	[dreg:$0x1] =	wrdreg $0xFFFFFFFF  }
0xc3: {  	_ =	task.clear_ibuf [dreg:s8], $0x2FFFF;
	_ =	strace $0x9FFFFFFF  }
0xc4: {  	(tm) =	ssettm $0x7FFFFFFF  }
0xc5: {  	_ =	shalt  }
tec
execute0_lowered:
.L_overlay_start_1:
0x0: {  	(tag) =	ssettag $0x1  }
0x1: {  	s4 =	rddreg [dreg:$0x0]  }
0x2: {  	s3 =	rddreg [dreg:$0x1]  }
0x3: {  	s6 =	rddreg [dreg:$0x2]  }
0x4: {  	s0 =	rddreg [dreg:$0x3]  }
0x5: {  	s2 =	simm.s32 $0x0;
	s5 =	srdreg.scid;
	s1 =	stileid.u32  }
0x6: {  	s10 =	simm.s32 $0x3;
	s11 =	simm.s32 $0x80;
	s12 =	simm.s32 $0xC800  }
0x7: {  	s13 =	simm.s32 $0x1;
	s14 =	simm.s32 $0x2;
	s15 =	simm.s32 $0x19000  }
0x8: {  	s16 =	simm.s32 $0x0;
	[smem:$0x7FF] =	sst s2;
	s5 =	sand.u32 $0x1, s5  }
0x9: {  	s8 =	sshll.u32 s1, $0xA;
	s7 =	ssub.s32 $0x2, s5;
	s5 =	sshll.u32 s5, $0x9  }
0xa: {  	s3 =	sadd.s32 $0x800, s3;
	s9 =	sshrl.u32 s7, $0x1;
	s5 =	sor.u32 s5, s8  }
0xb: {  	_ =	strace $0x80000047;
	s7 =	ssub.s32 s7, s9;
	s4 =	sadd.s32 s4, s5  }
0xc: {  	s8 =	sshrl.u32 s5, $0x3;
	s9 =	simm.s32 $0x20000;
	s5 =	sadd.s32 $0x100, s4  }
0xd: {  	s6 =	sadd.s32 s6, s8;
	s7 =	smax.u32 s7, $0x1;
	s8 =	simm.s32 $0x400  }
.LBB2_1:
0xe: {  	[tilespmem:s2], [sflag:$0x3] =	stream.strided.gather [hbm4b:s4+s8], $0x6400, s9, s8, $0x38;
	[tilespmem:$0x19200] =	vst v63  }
0xf: {  	_ =	swait.ge [sflag:s10], $0x6400  }
0x10: {  	[sflag:s10] =	ssyncset.done $0x0  }
0x11: {  	s17 =	simm.s32 $0x0;
	[sflag:s10] =	ssyncadd.s32 $0xFFFF9C00  }
.LBB2_2:
0x12: {  	p0 =	sne.s32 s17, $0x18E00  }
.Ltmp0:
0x13: {  	_ = 	snop;
	(pc) =	sbr.rel @p0 .LBB2_2-.Ltmp0, $4  }
0x14: {  	_ = 	snop  }
0x15: {  	s18 =	sshra.s32 s17, $0x2  }
0x16: {  	s17 =	sadd.s32 $0x200, s17;
	s19 =	sadd.s32 $0x6400, s18  }
0x17: {  	[tilespmem:s19], [sflag:$0x1] =	stream.indirect.gather [hbm4b:s3+s11], $0x1, s18, s11, $0xb8;
	[tilespmem:$0x19200] =	vst v63  }
0x18: {  	s17 =	simm.s32 $0x0;
	p1 =	por $0x1, $0x1  }
.LBB2_4:
0x19: {  	s18 =	sor.u32 $0x80, s17  }
0x1a: {  	s19 =	sadd.s32 s18, s4  }
0x1b: {  	[tilespmem:s12], [sflag:$0x3] =	stream.strided.gather [hbm4b:s19+s8], $0x6400, s9, s8, $0x38;
	[tilespmem:$0x19200] =	vst v63  }
0x1c: {  	_ =	swait.ge [sflag:s10], $0x6400  }
0x1d: {  	[sflag:s10] =	ssyncset.done $0x0  }
0x1e: {  	p0 =	por p1, p1;
	s19 =	simm.s32 $0x0;
	[sflag:s10] =	ssyncadd.s32 $0xFFFF9C00  }
.LBB2_5:
0x1f: {  	p1 =	sne.s32 s19, $0x18E00  }
.Ltmp1:
0x20: {  	_ = 	snop;
	(pc) =	sbr.rel @p1 .LBB2_5-.Ltmp1, $4  }
0x21: {  	_ = 	snop  }
0x22: {  	s20 =	sshra.s32 s19, $0x2  }
0x23: {  	s19 =	sadd.s32 $0x200, s19;
	s21 =	sadd.s32 $0x12C00, s20;
	s20 =	sadd.s32 $0xC800, s20  }
0x24: {  	[tilespmem:s21], [sflag:$0x2] =	stream.indirect.gather [hbm4b:s3+s11], $0x1, s20, s11, $0xb8;
	[tilespmem:$0x19200] =	vst v63  }
0x25: {  	s19 =	simm.s32 $0xC8  }
.LBB2_7:
0x26: {  	p1 =	sne.s32 s19, $0x1  }
.Ltmp2:
0x27: {  	_ = 	snop;
	(pc) =	sbr.rel @p1 .LBB2_7-.Ltmp2, $4  }
0x28: {  	_ = 	snop  }
0x29: {  	_ =	swait.ge [sflag:s13], $0x80  }
0x2a: {  	[sflag:s13] =	ssyncset.done $0x0  }
0x2b: {  	s19 =	sadd.s32 $0xFFFFFFFF, s19;
	[sflag:s13] =	ssyncadd.s32 $0xFFFFFF80  }
0x2c: {  	s21 =	simm.s32 $0x0  }
0x2d: {  	v0 =	vld [tilespmem:s21+$0x6470]  }
0x2e: {  	v1 =	vld [tilespmem:s21+$0x6400]  }
0x2f: {  	v2 =	vld [tilespmem:s21+$0x6410]  }
0x30: {  	v10 =	vld [tilespmem:s21+$0x6420]  }
0x31: {  	v8 =	vld [tilespmem:s21+$0x6430]  }
0x32: {  	v9 =	vimm.f32 $0.0e+00;
	v7 =	vimm.f32 $0.0e+00;
	v5 =	vld [tilespmem:s21+$0x6440]  }
0x33: {  	v6 =	vimm.f32 $0.0e+00;
	v3 =	vimm.f32 $0.0e+00;
	v4 =	vld [tilespmem:s21+$0x6450];
	v0 =	vadd.f32 v0, v9  }
0x34: {  	s19 =	simm.s32 $0x80;
	s20 =	simm.s32 $0x400;
	v12 =	vadd.f32 v1, v9;
	v11 =	vadd.f32 v2, v9;
	v2 =	vld [tilespmem:s21+$0x6460];
	v1 =	vimm.f32 $0.0e+00  }
.LBB2_9:
0x35: {  	p1 =	sne.s32 s20, $0x18E00;
	v13 =	vld [tilespmem:s19+$0x6470];
	v9 =	vadd.f32 v10, v9  }
0x36: {  	v14 =	vld [tilespmem:s19+$0x6400];
	v7 =	vadd.f32 v8, v7  }
0x37: {  	v15 =	vld [tilespmem:s19+$0x6410];
	v6 =	vadd.f32 v5, v6  }
.Ltmp3:
0x38: {  	v10 =	vld [tilespmem:s19+$0x6420];
	v3 =	vadd.f32 v4, v3;
	(pc) =	sbr.rel @p1 .LBB2_9-.Ltmp3, $4  }
0x39: {  	v8 =	vld [tilespmem:s19+$0x6430];
	v1 =	vadd.f32 v2, v1  }
0x3a: {  	v5 =	vld [tilespmem:s19+$0x6440];
	v0 =	vadd.f32 v13, v0  }
0x3b: {  	v12 =	vadd.f32 v14, v12;
	v4 =	vld [tilespmem:s19+$0x6450]  }
0x3c: {  	v11 =	vadd.f32 v15, v11;
	v2 =	vld [tilespmem:s19+$0x6460];
	s19 =	sshra.s32 s20, $0x2;
	s20 =	sadd.s32 $0x200, s20  }
0x3d: {  	v13 =	vld [tilespmem:s19+$0x6400];
	_ =	sdelay $0x4  }
0x3e: {  	v12 =	vadd.f32 v13, v12;
	_ =	sdelay $0x1  }
0x3f: {  	v12 =	vmul.f32 $4.999999890e-03, v12;
	_ =	sdelay $0x1  }
0x40: {  	v12 =	vsub.f32 $0.0e+00, v12;
	_ =	sdelay $0x1  }
0x41: {  	v12 =	vmul.f32 $1.442695020e+00, v12;
	_ =	sdelay $0x1  }
0x42: {  	v47 =	vld [tilespmem:s19+$0x6410];
	(erf) = vpow2.f32 v12;
	_ =	sdelay $0x4  }
0x43: {  	v11 =	vadd.f32 v47, v11;
	_ =	sdelay $0x1  }
0x44: {  	v11 =	vmul.f32 $4.999999890e-03, v11;
	_ =	sdelay $0x1  }
0x45: {  	v11 =	vsub.f32 $0.0e+00, v11;
	v12 =	vpop (erf)  }
0x46: {  	v12 =	vadd.f32 $1.000000000e+00, v12  }
0x47: {  	v11 =	vmul.f32 $1.442695020e+00, v11  }
0x48: {  	(erf) = vrcp.f32 v12  }
0x49: {  	v48 =	vld [tilespmem:s19+$0x6420];
	(erf) = vpow2.f32 v11;
	_ =	sdelay $0x2  }
0x4a: {  	v9 =	vadd.f32 v10, v9;
	_ =	sdelay $0x1  }
0x4b: {  	v9 =	vadd.f32 v48, v9;
	_ =	sdelay $0x1  }
0x4c: {  	v9 =	vmul.f32 $4.999999890e-03, v9  }
0x4d: {  	v49 =	vpop (erf)  }
0x4e: {  	v9 =	vsub.f32 $0.0e+00, v9;
	v11 =	vpop (erf)  }
0x4f: {  	v11 =	vadd.f32 $1.000000000e+00, v11  }
0x50: {  	v9 =	vmul.f32 $1.442695020e+00, v9  }
0x51: {  	(erf) = vrcp.f32 v11  }
0x52: {  	v50 =	vld [tilespmem:s19+$0x6430];
	(erf) = vpow2.f32 v9;
	_ =	sdelay $0x2  }
0x53: {  	v7 =	vadd.f32 v8, v7;
	_ =	sdelay $0x1  }
0x54: {  	v7 =	vadd.f32 v50, v7;
	_ =	sdelay $0x1  }
0x55: {  	v7 =	vmul.f32 $4.999999890e-03, v7  }
0x56: {  	v51 =	vpop (erf)  }
0x57: {  	v7 =	vsub.f32 $0.0e+00, v7;
	v9 =	vpop (erf)  }
0x58: {  	v9 =	vadd.f32 $1.000000000e+00, v9  }
0x59: {  	v7 =	vmul.f32 $1.442695020e+00, v7  }
0x5a: {  	(erf) = vrcp.f32 v9  }
0x5b: {  	v52 =	vld [tilespmem:s19+$0x6440];
	(erf) = vpow2.f32 v7;
	_ =	sdelay $0x2  }
0x5c: {  	v5 =	vadd.f32 v5, v6;
	_ =	sdelay $0x1  }
0x5d: {  	v5 =	vadd.f32 v52, v5;
	_ =	sdelay $0x1  }
0x5e: {  	v5 =	vmul.f32 $4.999999890e-03, v5  }
0x5f: {  	v53 =	vpop (erf)  }
0x60: {  	v5 =	vsub.f32 $0.0e+00, v5;
	v7 =	vpop (erf)  }
0x61: {  	v7 =	vadd.f32 $1.000000000e+00, v7  }
0x62: {  	v5 =	vmul.f32 $1.442695020e+00, v5  }
0x63: {  	(erf) = vrcp.f32 v7  }
0x64: {  	v54 =	vld [tilespmem:s19+$0x6450];
	(erf) = vpow2.f32 v5;
	_ =	sdelay $0x2  }
0x65: {  	v3 =	vadd.f32 v4, v3;
	_ =	sdelay $0x1  }
0x66: {  	v3 =	vadd.f32 v54, v3;
	_ =	sdelay $0x1  }
0x67: {  	v3 =	vmul.f32 $4.999999890e-03, v3  }
0x68: {  	v55 =	vpop (erf)  }
0x69: {  	v3 =	vsub.f32 $0.0e+00, v3;
	v5 =	vpop (erf)  }
0x6a: {  	v5 =	vadd.f32 $1.000000000e+00, v5  }
0x6b: {  	v3 =	vmul.f32 $1.442695020e+00, v3  }
0x6c: {  	(erf) = vrcp.f32 v5  }
0x6d: {  	v56 =	vld [tilespmem:s19+$0x6460];
	(erf) = vpow2.f32 v3;
	_ =	sdelay $0x2  }
0x6e: {  	v1 =	vadd.f32 v2, v1;
	_ =	sdelay $0x1  }
0x6f: {  	v1 =	vadd.f32 v56, v1;
	_ =	sdelay $0x1  }
0x70: {  	v1 =	vmul.f32 $4.999999890e-03, v1  }
0x71: {  	v57 =	vpop (erf)  }
0x72: {  	v1 =	vsub.f32 $0.0e+00, v1;
	v3 =	vpop (erf)  }
0x73: {  	v3 =	vadd.f32 $1.000000000e+00, v3  }
0x74: {  	v1 =	vmul.f32 $1.442695020e+00, v1  }
0x75: {  	(erf) = vrcp.f32 v3  }
0x76: {  	v58 =	vld [tilespmem:s19+$0x6470];
	(erf) = vpow2.f32 v1;
	_ =	sdelay $0x4  }
0x77: {  	v0 =	vadd.f32 v58, v0;
	_ =	sdelay $0x1  }
0x78: {  	v0 =	vmul.f32 $4.999999890e-03, v0  }
0x79: {  	v59 =	vpop (erf)  }
0x7a: {  	v0 =	vsub.f32 $0.0e+00, v0;
	v60 =	vpop (erf)  }
0x7b: {  	v3 =	vadd.f32 $1.000000000e+00, v60  }
0x7c: {  	v0 =	vmul.f32 $1.442695020e+00, v0  }
0x7d: {  	(erf) = vrcp.f32 v3  }
0x7e: {  	(erf) = vpow2.f32 v0;
	_ =	sdelay $0x7  }
0x7f: {  	v61 =	vpop (erf)  }
0x80: {  	v62 =	vpop (erf)  }
0x81: {  	v3 =	vadd.f32 $1.000000000e+00, v62;
	_ =	sdelay $0x1  }
0x82: {  	(erf) = vrcp.f32 v3;
	_ =	sdelay $0x2  }
0x83: {  	[tilespmem:s17+$0x19000] =	vst v49  }
0x84: {  	[tilespmem:s17+$0x19010] =	vst v51  }
0x85: {  	[tilespmem:s17+$0x19020] =	vst v53  }
.Ltmp4:
0x86: {  	[tilespmem:s17+$0x19030] =	vst v55;
	(pc) =	sbr.rel @!p0 .LBB2_14-.Ltmp4, $4  }
0x87: {  	[tilespmem:s17+$0x19040] =	vst v57  }
0x88: {  	[tilespmem:s17+$0x19050] =	vst v59  }
0x89: {  	[tilespmem:s17+$0x19060] =	vst v61;
	v63 =	vpop (erf)  }
0x8a: {  	[tilespmem:s17+$0x19070] =	vst v63  }
0x8b: {  	s19 =	simm.s32 $0x0  }
0x8c: {  	[tilespmem:s19], [sflag:$0x3] =	stream.strided.gather [hbm4b:s5+s8], $0x6400, s9, s8, $0x38;
	[tilespmem:$0x19200] =	vst v63  }
0x8d: {  	_ =	swait.ge [sflag:s10], $0x6400  }
0x8e: {  	s20 =	simm.s32 $0x0;
	[sflag:s10] =	ssyncset.done $0x0  }
0x8f: {  	s21 =	simm.s32 $0x6400;
	s19 =	simm.s32 $0x200;
	[sflag:s10] =	ssyncadd.s32 $0xFFFF9C00  }
.LBB2_12:
0x90: {  	[tilespmem:s21], [sflag:$0x1] =	stream.indirect.gather [hbm4b:s3+s11], $0x1, s20, s11, $0xb8;
	[tilespmem:$0x19200] =	vst v63  }
0x91: {  	s20 =	smov.u32 s19;
	p1 =	sne.s32 s19, $0x18E00  }
.Ltmp5:
0x92: {  	s19 =	sadd.s32 $0x200, s19;
	(pc) =	sbr.rel @p1 .LBB2_12-.Ltmp5, $3  }
0x93: {  	_ =	sdelay $0x1  }
0x94: {  	s20 =	sshra.s32 s20, $0x2  }
0x95: {  	s21 =	sadd.s32 $0x6400, s20  }
0x96: {  	[tilespmem:s21], [sflag:$0x1] =	stream.indirect.gather [hbm4b:s3+s11], $0x1, s20, s11, $0xb8;
	[tilespmem:$0x19200] =	vst v63  }
.LBB2_14:
0x97: {  	s19 =	simm.s32 $0xC8  }
.LBB2_15:
0x98: {  	p1 =	sne.s32 s19, $0x1  }
.Ltmp6:
0x99: {  	_ = 	snop;
	(pc) =	sbr.rel @p1 .LBB2_15-.Ltmp6, $4  }
0x9a: {  	_ = 	snop  }
0x9b: {  	_ =	swait.ge [sflag:s14], $0x80  }
0x9c: {  	[sflag:s14] =	ssyncset.done $0x0  }
0x9d: {  	s19 =	sadd.s32 $0xFFFFFFFF, s19;
	[sflag:s14] =	ssyncadd.s32 $0xFFFFFF80  }
0x9e: {  	s21 =	simm.s32 $0x0  }
0x9f: {  	v0 =	vld [tilespmem:s21+$0x12C70]  }
0xa0: {  	v1 =	vld [tilespmem:s21+$0x12C00]  }
0xa1: {  	v2 =	vld [tilespmem:s21+$0x12C10]  }
0xa2: {  	v10 =	vld [tilespmem:s21+$0x12C20]  }
0xa3: {  	v8 =	vld [tilespmem:s21+$0x12C30]  }
0xa4: {  	v9 =	vimm.f32 $0.0e+00;
	v7 =	vimm.f32 $0.0e+00;
	v5 =	vld [tilespmem:s21+$0x12C40]  }
0xa5: {  	v6 =	vimm.f32 $0.0e+00;
	v3 =	vimm.f32 $0.0e+00;
	v4 =	vld [tilespmem:s21+$0x12C50];
	v0 =	vadd.f32 v0, v9  }
0xa6: {  	s19 =	simm.s32 $0x80;
	s20 =	simm.s32 $0x400;
	v12 =	vadd.f32 v1, v9;
	v11 =	vadd.f32 v2, v9;
	v2 =	vld [tilespmem:s21+$0x12C60];
	v1 =	vimm.f32 $0.0e+00  }
.LBB2_17:
0xa7: {  	p1 =	sne.s32 s20, $0x18E00;
	v13 =	vld [tilespmem:s19+$0x12C70];
	v9 =	vadd.f32 v10, v9  }
0xa8: {  	v14 =	vld [tilespmem:s19+$0x12C00];
	v7 =	vadd.f32 v8, v7  }
0xa9: {  	v15 =	vld [tilespmem:s19+$0x12C10];
	v6 =	vadd.f32 v5, v6  }
.Ltmp7:
0xaa: {  	v10 =	vld [tilespmem:s19+$0x12C20];
	v3 =	vadd.f32 v4, v3;
	(pc) =	sbr.rel @p1 .LBB2_17-.Ltmp7, $4  }
0xab: {  	v8 =	vld [tilespmem:s19+$0x12C30];
	v1 =	vadd.f32 v2, v1  }
0xac: {  	v5 =	vld [tilespmem:s19+$0x12C40];
	v0 =	vadd.f32 v13, v0  }
0xad: {  	v12 =	vadd.f32 v14, v12;
	v4 =	vld [tilespmem:s19+$0x12C50]  }
0xae: {  	v11 =	vadd.f32 v15, v11;
	v2 =	vld [tilespmem:s19+$0x12C60];
	s19 =	sshra.s32 s20, $0x2;
	s20 =	sadd.s32 $0x200, s20  }
0xaf: {  	v13 =	vld [tilespmem:s19+$0x12C00];
	_ =	sdelay $0x4  }
0xb0: {  	v12 =	vadd.f32 v13, v12;
	_ =	sdelay $0x1  }
0xb1: {  	v12 =	vmul.f32 $4.999999890e-03, v12;
	_ =	sdelay $0x1  }
0xb2: {  	v12 =	vsub.f32 $0.0e+00, v12;
	_ =	sdelay $0x1  }
0xb3: {  	v12 =	vmul.f32 $1.442695020e+00, v12;
	_ =	sdelay $0x1  }
0xb4: {  	v47 =	vld [tilespmem:s19+$0x12C10];
	(erf) = vpow2.f32 v12;
	_ =	sdelay $0x4  }
0xb5: {  	v11 =	vadd.f32 v47, v11;
	_ =	sdelay $0x1  }
0xb6: {  	v11 =	vmul.f32 $4.999999890e-03, v11;
	_ =	sdelay $0x1  }
0xb7: {  	v11 =	vsub.f32 $0.0e+00, v11;
	v12 =	vpop (erf)  }
0xb8: {  	v12 =	vadd.f32 $1.000000000e+00, v12  }
0xb9: {  	v11 =	vmul.f32 $1.442695020e+00, v11  }
0xba: {  	(erf) = vrcp.f32 v12  }
0xbb: {  	v48 =	vld [tilespmem:s19+$0x12C20];
	(erf) = vpow2.f32 v11;
	_ =	sdelay $0x2  }
0xbc: {  	v9 =	vadd.f32 v10, v9;
	_ =	sdelay $0x1  }
0xbd: {  	v9 =	vadd.f32 v48, v9;
	_ =	sdelay $0x1  }
0xbe: {  	v9 =	vmul.f32 $4.999999890e-03, v9  }
0xbf: {  	v49 =	vpop (erf)  }
0xc0: {  	v9 =	vsub.f32 $0.0e+00, v9;
	v11 =	vpop (erf)  }
0xc1: {  	v11 =	vadd.f32 $1.000000000e+00, v11  }
0xc2: {  	v9 =	vmul.f32 $1.442695020e+00, v9  }
0xc3: {  	(erf) = vrcp.f32 v11  }
0xc4: {  	v50 =	vld [tilespmem:s19+$0x12C30];
	(erf) = vpow2.f32 v9;
	_ =	sdelay $0x2  }
0xc5: {  	v7 =	vadd.f32 v8, v7;
	_ =	sdelay $0x1  }
0xc6: {  	v7 =	vadd.f32 v50, v7;
	_ =	sdelay $0x1  }
0xc7: {  	v7 =	vmul.f32 $4.999999890e-03, v7  }
0xc8: {  	v51 =	vpop (erf)  }
0xc9: {  	v7 =	vsub.f32 $0.0e+00, v7;
	v9 =	vpop (erf)  }
0xca: {  	v9 =	vadd.f32 $1.000000000e+00, v9  }
0xcb: {  	v7 =	vmul.f32 $1.442695020e+00, v7  }
0xcc: {  	(erf) = vrcp.f32 v9  }
0xcd: {  	v52 =	vld [tilespmem:s19+$0x12C40];
	(erf) = vpow2.f32 v7;
	_ =	sdelay $0x2  }
0xce: {  	v5 =	vadd.f32 v5, v6;
	_ =	sdelay $0x1  }
0xcf: {  	v5 =	vadd.f32 v52, v5;
	_ =	sdelay $0x1  }
0xd0: {  	v5 =	vmul.f32 $4.999999890e-03, v5  }
0xd1: {  	v53 =	vpop (erf)  }
0xd2: {  	v5 =	vsub.f32 $0.0e+00, v5;
	v7 =	vpop (erf)  }
0xd3: {  	v7 =	vadd.f32 $1.000000000e+00, v7  }
0xd4: {  	v5 =	vmul.f32 $1.442695020e+00, v5  }
0xd5: {  	(erf) = vrcp.f32 v7  }
0xd6: {  	v54 =	vld [tilespmem:s19+$0x12C50];
	(erf) = vpow2.f32 v5;
	_ =	sdelay $0x2  }
0xd7: {  	v3 =	vadd.f32 v4, v3;
	_ =	sdelay $0x1  }
0xd8: {  	v3 =	vadd.f32 v54, v3;
	_ =	sdelay $0x1  }
0xd9: {  	v3 =	vmul.f32 $4.999999890e-03, v3  }
0xda: {  	v55 =	vpop (erf)  }
0xdb: {  	v3 =	vsub.f32 $0.0e+00, v3;
	v5 =	vpop (erf)  }
0xdc: {  	v5 =	vadd.f32 $1.000000000e+00, v5  }
0xdd: {  	v3 =	vmul.f32 $1.442695020e+00, v3  }
0xde: {  	(erf) = vrcp.f32 v5  }
0xdf: {  	v56 =	vld [tilespmem:s19+$0x12C60];
	(erf) = vpow2.f32 v3;
	_ =	sdelay $0x2  }
0xe0: {  	v1 =	vadd.f32 v2, v1;
	_ =	sdelay $0x1  }
0xe1: {  	v1 =	vadd.f32 v56, v1;
	_ =	sdelay $0x1  }
0xe2: {  	v1 =	vmul.f32 $4.999999890e-03, v1  }
0xe3: {  	v57 =	vpop (erf)  }
0xe4: {  	v1 =	vsub.f32 $0.0e+00, v1;
	v3 =	vpop (erf)  }
0xe5: {  	v3 =	vadd.f32 $1.000000000e+00, v3  }
0xe6: {  	v1 =	vmul.f32 $1.442695020e+00, v1  }
0xe7: {  	(erf) = vrcp.f32 v3  }
0xe8: {  	v58 =	vld [tilespmem:s19+$0x12C70];
	(erf) = vpow2.f32 v1;
	_ =	sdelay $0x4  }
0xe9: {  	v0 =	vadd.f32 v58, v0;
	_ =	sdelay $0x1  }
0xea: {  	v0 =	vmul.f32 $4.999999890e-03, v0  }
0xeb: {  	v59 =	vpop (erf)  }
0xec: {  	v0 =	vsub.f32 $0.0e+00, v0;
	v60 =	vpop (erf)  }
0xed: {  	v3 =	vadd.f32 $1.000000000e+00, v60  }
0xee: {  	v0 =	vmul.f32 $1.442695020e+00, v0  }
0xef: {  	(erf) = vrcp.f32 v3  }
0xf0: {  	(erf) = vpow2.f32 v0;
	_ =	sdelay $0x7  }
0xf1: {  	v61 =	vpop (erf)  }
0xf2: {  	v62 =	vpop (erf)  }
0xf3: {  	v3 =	vadd.f32 $1.000000000e+00, v62;
	_ =	sdelay $0x1  }
0xf4: {  	(erf) = vrcp.f32 v3;
	_ =	sdelay $0x2  }
0xf5: {  	[tilespmem:s18+$0x19000] =	vst v49  }
0xf6: {  	[tilespmem:s17+$0x19090] =	vst v51  }
0xf7: {  	[tilespmem:s17+$0x190A0] =	vst v53  }
.Ltmp8:
0xf8: {  	[tilespmem:s17+$0x190B0] =	vst v55;
	(pc) =	sbr.rel @p0 .LBB2_4-.Ltmp8, $4  }
0xf9: {  	[tilespmem:s17+$0x190C0] =	vst v57  }
0xfa: {  	[tilespmem:s17+$0x190D0] =	vst v59  }
0xfb: {  	[tilespmem:s17+$0x190E0] =	vst v61;
	v63 =	vpop (erf)  }
0xfc: {  	p1 =	por $0x0, $0x0;
	[tilespmem:s17+$0x190F0] =	vst v63;
	s17 =	simm.s32 $0x100  }
0xfd: {  	s16 =	sadd.s32 $0x1, s16  }
0xfe: {  	p0 =	sne.s32 s16, s7  }
.Ltmp9:
0xff: {  	_ = 	snop;
	(pc) =	sbr.rel @p0 .LBB2_1-.Ltmp9, $4  }
0x100: {  	[hbm4b:s6+s2] =	stream.linear.scatter [tilespmem:s15], [sflag:$0x3], $0x200, $0x38;
	[tilespmem:$0x19200] =	vst v63  }
0x101: {  	_ =	swait.ge [sflag:s10], $0x200  }
0x102: {  	[sflag:s10] =	ssyncset.done $0x0  }
0x103: {  	[sflag:s10] =	ssyncadd.s32 $0xFFFFFE00  }
0x104: {  	_ =	sfence.sel $0x180000  }
0x105: {  	[bflag:$0x0] =	sbarrier.arrive $0xFFFF  }
0x106: {  	p0 =	sne.s32 s1, $0x0;
	_ =	strace $0x90000047  }
0x107: {  	s0 =	sadd.s32 @!p0 $0x100000, s0;
	[bflag:$0x2] =	sbarrier.arrive $0xFFFF  }
0x108: {  	[sflag:s0] =	ssyncadd.tile.s32 @!p0 $0x1;
	_ =	shalt  }
.Lfunc_end2:
_tile_overlayer_lowered:
.L_overlay_start_2:
0x109: {  	(tag) =	ssettag $0x2  }
0x10a: {  	s0 =	rddreg [dreg:$0x0];
	s2 =	stileid.u32  }
0x10b: {  	s1 =	rddreg [dreg:$0x1];
	p0 =	sne.s32 s2, $0x0  }
0x10c: {  	s3 =	rddreg [dreg:$0x2];
	[bflag:$0x3] =	sbarrier.arrive $0xFFFF;
	s2 =	simm.s32 @!p0 $0x1C03  }
0x10d: {  	[timem:s3], [sflag:s2] =	dma.local @!p0 [hbm:s0], s1  }
0x10e: {  	s0 =	simm.s32 @!p0 $0x3  }
0x10f: {  	_ =	swait.ge @!p0 [sflag:s0], s1  }
0x110: {  	s1 =	ssub.s32 @!p0 $0x0, s1;
	[sflag:s0] =	ssyncset.done @!p0 $0x0  }
0x111: {  	[sflag:s0] =	ssyncadd.s32 @!p0 s1  }
0x112: {  	[bflag:$0x3] =	sbarrier.arrive $0xFFFF  }
0x113: {  	_ =	shalt  }

</sc_bundles>
